<compile_context>
chip_gen: v7x
topology: tpu7x:2x2x1
jax: 0.10.2.dev20260603
libtpu: 0.0.44.dev20260713+nightly
codegen_flags: <defaults>
</compile_context>

<pallas_src>
import functools

import jax
import jax.numpy as jnp
from jax import lax
from jax.experimental import pallas as pl
from jax.experimental.pallas import tpu as pltpu
from jax.experimental.pallas import tpu_sc as plsc

N = 10000
E = 320000
D = 128
H = 128
C = 5

NC = 2
NS = 16
NW = NC * NS
NPAD = 10240
RPT = NPAD // NS
CH = 128
EPAD = 327680
ECHUNKS = EPAD // CH
CPT = ECHUNKS // NW
CPP = CPT // 2
TBLK = 1024
TGRID = NPAD // TBLK

_mesh = plsc.VectorSubcoreMesh(core_axis_name="c", subcore_axis_name="s")



@functools.partial(
    pl.kernel,
    out_type=jax.ShapeDtypeStruct((NC * NPAD,), jnp.float32),
    mesh=_mesh,
    scratch_types=[
        pltpu.VMEM((CPT, CH), jnp.int32),
        pltpu.VMEM((CH,), jnp.float32),
        pltpu.VMEM_SHARED((NPAD,), jnp.float32),
    ],
)
def _deg_sc(dst2_hbm, ones_hbm, zeros_hbm, cnt_hbm, dstv, ones_v, acc_sh):
    c = lax.axis_index("c")
    s = lax.axis_index("s")
    wid = c * NS + s
    pltpu.sync_copy(dst2_hbm.at[pl.ds(wid * CPT, CPT)], dstv)
    pltpu.sync_copy(ones_hbm, ones_v)
    pltpu.sync_copy(zeros_hbm.at[pl.ds(s * RPT, RPT)],
                    acc_sh.at[pl.ds(s * RPT, RPT)])
    plsc.subcore_barrier()

    def step(j, carry):
        pltpu.sync_copy(ones_v, acc_sh.at[dstv.at[j]], add=True)
        return carry

    lax.fori_loop(0, CPT, step, 0)
    plsc.subcore_barrier()
    pltpu.sync_copy(acc_sh.at[pl.ds(s * RPT, RPT)],
                    cnt_hbm.at[pl.ds(c * NPAD + s * RPT, RPT)])


@functools.partial(
    pl.kernel,
    out_type=jax.ShapeDtypeStruct((NC * NPAD, H), jnp.float32),
    mesh=_mesh,
    scratch_types=[
        pltpu.VMEM((CPP, CH), jnp.int32),
        pltpu.VMEM((CPP, CH), jnp.int32),
        pltpu.VMEM((CH, H), jnp.float32),
        pltpu.VMEM((CH, H), jnp.float32),
        pltpu.SemaphoreType.DMA,
        pltpu.SemaphoreType.DMA,
        pltpu.SemaphoreType.DMA,
        pltpu.VMEM_SHARED((NPAD, H), jnp.float32),
    ],
)
def _agg_sc(g_hbm, src2_hbm, dst2_hbm, out_hbm,
            srcv, dstv, rows0, rows1, sem0, sem1, semi, acc_sh):
    c = lax.axis_index("c")
    s = lax.axis_index("s")
    wid = c * NS + s
    rbase = s * RPT
    init = pltpu.make_async_copy(g_hbm.at[pl.ds(rbase, RPT)],
                                 acc_sh.at[pl.ds(rbase, RPT)], semi)
    init.start()

    def gstart(j, buf, sem):
        pltpu.make_async_copy(g_hbm.at[srcv.at[j]], buf, sem).start()

    def gwait(j, buf, sem):
        pltpu.make_async_copy(g_hbm.at[srcv.at[j]], buf, sem).wait()

    def body(i, carry):
        j = 2 * i
        gstart(j + 1, rows1, sem1)
        gwait(j, rows0, sem0)
        pltpu.sync_copy(rows0, acc_sh.at[dstv.at[j]], add=True)
        gstart(j + 2, rows0, sem0)
        gwait(j + 1, rows1, sem1)
        pltpu.sync_copy(rows1, acc_sh.at[dstv.at[j + 1]], add=True)
        return carry

    for p in range(CPT // CPP):
        pltpu.sync_copy(src2_hbm.at[pl.ds(wid * CPT + p * CPP, CPP)], srcv)
        pltpu.sync_copy(dst2_hbm.at[pl.ds(wid * CPT + p * CPP, CPP)], dstv)
        if p == 0:
            init.wait()
            plsc.subcore_barrier()
        gstart(0, rows0, sem0)
        lax.fori_loop(0, (CPP - 2) // 2, body, 0)
        gstart(CPP - 1, rows1, sem1)
        gwait(CPP - 2, rows0, sem0)
        pltpu.sync_copy(rows0, acc_sh.at[dstv.at[CPP - 2]], add=True)
        gwait(CPP - 1, rows1, sem1)
        pltpu.sync_copy(rows1, acc_sh.at[dstv.at[CPP - 1]], add=True)
    plsc.subcore_barrier()
    pltpu.sync_copy(acc_sh.at[pl.ds(rbase, RPT)],
                    out_hbm.at[pl.ds(c * NPAD + rbase, RPT)])



def _rsqrt_deg(cnt_ref):
    deg = cnt_ref[0] + cnt_ref[1] + 1.0
    return lax.rsqrt(deg)


def _pre_body(cnt_ref, x_ref, w_ref, o_ref):
    dinv = _rsqrt_deg(cnt_ref)
    o_ref[...] = jnp.dot(x_ref[...], w_ref[...],
                         preferred_element_type=jnp.float32) * dinv


_pre_tc = pl.pallas_call(
    _pre_body,
    grid=(TGRID,),
    in_specs=[
        pl.BlockSpec((2, TBLK, 1), lambda i: (0, i, 0)),
        pl.BlockSpec((TBLK, D), lambda i: (i, 0)),
        pl.BlockSpec((D, H), lambda i: (0, 0)),
    ],
    out_specs=pl.BlockSpec((TBLK, H), lambda i: (i, 0)),
    out_shape=jax.ShapeDtypeStruct((NPAD, H), jnp.float32),
)


def _mid_body(cnt_ref, acc_ref, g_ref, b_ref, w_ref, o_ref):
    dinv = _rsqrt_deg(cnt_ref)
    p = acc_ref[0] + acc_ref[1] - g_ref[...]
    h = jnp.maximum(p * dinv + b_ref[...], 0.0)
    rows = lax.broadcasted_iota(jnp.int32, (TBLK, 1), 0) + pl.program_id(0) * TBLK
    y = jnp.dot(h, w_ref[...], preferred_element_type=jnp.float32) * dinv
    o_ref[...] = jnp.where(rows < N, y, 0.0)


_mid_tc = pl.pallas_call(
    _mid_body,
    grid=(TGRID,),
    in_specs=[
        pl.BlockSpec((2, TBLK, 1), lambda i: (0, i, 0)),
        pl.BlockSpec((2, TBLK, H), lambda i: (0, i, 0)),
        pl.BlockSpec((TBLK, H), lambda i: (i, 0)),
        pl.BlockSpec((1, H), lambda i: (0, 0)),
        pl.BlockSpec((H, H), lambda i: (0, 0)),
    ],
    out_specs=pl.BlockSpec((TBLK, H), lambda i: (i, 0)),
    out_shape=jax.ShapeDtypeStruct((NPAD, H), jnp.float32),
)


def _fin_body(cnt_ref, acc_ref, g_ref, b_ref, wout_ref, bout_ref, o_ref):
    dinv = _rsqrt_deg(cnt_ref)
    p = acc_ref[0] + acc_ref[1] - g_ref[...]
    h = jnp.maximum(p * dinv + b_ref[...], 0.0)
    logits = jnp.dot(h, wout_ref[...],
                     preferred_element_type=jnp.float32) + bout_ref[...]
    colmask = lax.broadcasted_iota(jnp.int32, (TBLK, H), 1) < C
    logits = jnp.where(colmask, logits, -1e30)
    m = jnp.max(logits, axis=1, keepdims=True)
    e = jnp.exp(logits - m)
    o_ref[...] = e / jnp.sum(e, axis=1, keepdims=True)


_fin_tc = pl.pallas_call(
    _fin_body,
    grid=(TGRID,),
    in_specs=[
        pl.BlockSpec((2, TBLK, 1), lambda i: (0, i, 0)),
        pl.BlockSpec((2, TBLK, H), lambda i: (0, i, 0)),
        pl.BlockSpec((TBLK, H), lambda i: (i, 0)),
        pl.BlockSpec((1, H), lambda i: (0, 0)),
        pl.BlockSpec((H, H), lambda i: (0, 0)),
        pl.BlockSpec((1, H), lambda i: (0, 0)),
    ],
    out_specs=pl.BlockSpec((TBLK, H), lambda i: (i, 0)),
    out_shape=jax.ShapeDtypeStruct((NPAD, H), jnp.float32),
)



def kernel(x, edge_index, W1, b1, W2, b2, Wout, bout):
    pad_idx = (N + jnp.arange(EPAD - E, dtype=jnp.int32) % (NPAD - N))
    src2 = jnp.concatenate([edge_index[0], pad_idx]).reshape(ECHUNKS, CH)
    dst2 = jnp.concatenate([edge_index[1], pad_idx]).reshape(ECHUNKS, CH)
    ones_sc = jnp.ones((CH,), jnp.float32)
    zeros_sc = jnp.zeros((NPAD,), jnp.float32)
    xp = jnp.pad(x, ((0, NPAD - N), (0, 0)))

    cnt = _deg_sc(dst2, ones_sc, zeros_sc).reshape(NC, NPAD, 1)
    g1 = _pre_tc(cnt, xp, W1)
    acc1 = _agg_sc(g1, src2, dst2).reshape(NC, NPAD, H)
    g2 = _mid_tc(cnt, acc1, g1, b1.reshape(1, H), W2)
    acc2 = _agg_sc(g2, src2, dst2).reshape(NC, NPAD, H)
    Wout_p = jnp.pad(Wout, ((0, 0), (0, H - C)))
    bout_p = jnp.pad(bout, (0, H - C)).reshape(1, H)
    out = _fin_tc(cnt, acc2, g2, b2.reshape(1, H), Wout_p, bout_p)
    return out[:N, :C]

# --- scband reference (transcript-rebuilt; emitter-appended) ---
"""Pipeline reference for scband-gcn-79740362817954 (READ-ONLY COPY).

The authoritative reference and input builder live on the scoring server;
editing this copy changes nothing except your own understanding.
"""

import jax, jax.numpy as jnp
import numpy as np

N = 10000
E = 320000
D = 128
H = 128
C = 5


def setup_inputs(seed: int = 0) -> dict:
    key = jax.random.key(seed)
    ks = jax.random.split(key, 9)
    x = jax.random.normal(ks[0], (N, D), dtype=jnp.float32)
    edge_index = jax.random.randint(ks[1], (2, E), 0, N, dtype=jnp.int32)
    W1 = jax.random.normal(ks[2], (D, H), dtype=jnp.float32) / np.sqrt(D)
    b1 = jnp.zeros((H,), dtype=jnp.float32)
    W2 = jax.random.normal(ks[3], (H, H), dtype=jnp.float32) / np.sqrt(H)
    b2 = jnp.zeros((H,), dtype=jnp.float32)
    Wout = jax.random.normal(ks[4], (H, C), dtype=jnp.float32) / np.sqrt(H)
    bout = jnp.zeros((C,), dtype=jnp.float32)
    return {"x": x, "edge_index": edge_index, "W1": W1, "b1": b1, "W2": W2, "b2": b2, "Wout": Wout, "bout": bout}


def _gcn_conv(x, edge_index, W, b):
    # GCNConv: out = D^{-1/2} (A + I) D^{-1/2} X W + b  (self-loops added)
    h = x @ W
    src = edge_index[0]
    dst = edge_index[1]
    loop = jnp.arange(N, dtype=src.dtype)
    src = jnp.concatenate([src, loop])
    dst = jnp.concatenate([dst, loop])
    deg = jnp.zeros((N,), dtype=jnp.float32).at[dst].add(1.0)
    dinv = jax.lax.rsqrt(jnp.maximum(deg, 1.0))
    norm = dinv[src] * dinv[dst]
    msg = h[src] * norm[:, None]
    out = jax.ops.segment_sum(msg, dst, num_segments=N)
    return out + b


def reference(x, edge_index, W1, b1, W2, b2, Wout, bout):
    h = jax.nn.relu(_gcn_conv(x, edge_index, W1, b1))
    # dropout omitted (eval mode, training=False)
    h = jax.nn.relu(_gcn_conv(h, edge_index, W2, b2))
    logits = h @ Wout + bout
    return jax.nn.softmax(logits, axis=1)

if __name__ == "__main__":
    import jax
    _d = setup_inputs()
    print(jax.jit(kernel)(*tuple(_d.values())))

</pallas_src>

<mosaic_0001>
#map = affine_map<(d0, d1) -> (0, 0)>
module attributes {stable_mosaic.version = 14 : i64} {
  func.func @_agg_sc(%arg0: i32, %arg1: i32, %arg2: memref<10240x128xf32, #tpu.memory_space<hbm>>, %arg3: memref<2560x128xi32, #tpu.memory_space<hbm>>, %arg4: memref<2560x128xi32, #tpu.memory_space<hbm>>, %arg5: memref<20480x128xf32, #tpu.memory_space<hbm>>, %arg6: memref<40x128xi32, #tpu.memory_space<vmem>>, %arg7: memref<40x128xi32, #tpu.memory_space<vmem>>, %arg8: memref<128x128xf32, #tpu.memory_space<vmem>>, %arg9: memref<128x128xf32, #tpu.memory_space<vmem>>, %arg10: memref<!tpu.dma_semaphore, #tpu.memory_space<semaphore_mem>>, %arg11: memref<!tpu.dma_semaphore, #tpu.memory_space<semaphore_mem>>, %arg12: memref<!tpu.dma_semaphore, #tpu.memory_space<semaphore_mem>>, %arg13: memref<10240x128xf32, #tpu.memory_space<vmem_shared>>) attributes {dimension_semantics = [#tpu.dimension_semantics<core_parallel>, #tpu.dimension_semantics<subcore_parallel>], iteration_bounds = array<i64: 2, 16>, scalar_prefetch = 0 : i64, scratch_operands = 8 : i64, tpu.core_type = #tpu.core_type<sc_vector_subcore>, window_params = [{transform_indices = #map}, {transform_indices = #map}, {transform_indices = #map}, {transform_indices = #map}]} {
    %mul3A = arith.constant 16 : i32
    %mul3A_0 = arith.muli %arg0, %mul3A : i32
    %add3A = arith.addi %mul3A_0, %arg1 : i32
    %mul3A_1 = arith.constant 640 : i32
    %mul3A_2 = arith.muli %arg1, %mul3A_1 : i32
    %dma_start3A = arith.constant 0 : i32
    %dma_start3A_3 = tpu.memref_slice %arg13[%mul3A_2, %dma_start3A] : memref<10240x128xf32, #tpu.memory_space<vmem_shared>> -> memref<640x128xf32, #tpu.memory_space<vmem_shared>>
    %dma_start3A_4 = arith.constant 0 : i32
    %dma_start3A_5 = tpu.memref_slice %arg2[%mul3A_2, %dma_start3A_4] : memref<10240x128xf32, #tpu.memory_space<hbm>> -> memref<640x128xf32, #tpu.memory_space<hbm>>
    tpu.enqueue_dma source(%dma_start3A_5 : memref<640x128xf32, #tpu.memory_space<hbm>>) target(%dma_start3A_3 : memref<640x128xf32, #tpu.memory_space<vmem_shared>>) target_semaphore(%arg12 : memref<!tpu.dma_semaphore, #tpu.memory_space<semaphore_mem>>)
    %mul3A_6 = arith.constant 80 : i32
    %mul3A_7 = arith.muli %add3A, %mul3A_6 : i32
    %add3A_8 = arith.constant 0 : i32
    %add3A_9 = arith.addi %mul3A_7, %add3A_8 : i32
    "tpu.region"() ({
      %run_scoped3A_99 = tpu.sem_alloc : memref<!tpu.dma_semaphore, #tpu.memory_space<semaphore_mem>>
      %dma_start3A_100 = arith.constant 0 : i32
      %dma_start3A_101 = tpu.memref_slice %arg3[%add3A_9, %dma_start3A_100] : memref<2560x128xi32, #tpu.memory_space<hbm>> -> memref<40x128xi32, #tpu.memory_space<hbm>>
      %dma_start3A_102 = arith.constant 0 : i32
      %dma_start3A_103 = tpu.memref_slice %arg3[%add3A_9, %dma_start3A_102] : memref<2560x128xi32, #tpu.memory_space<hbm>> -> memref<40x128xi32, #tpu.memory_space<hbm>>
      tpu.enqueue_dma source(%dma_start3A_103 : memref<40x128xi32, #tpu.memory_space<hbm>>) target(%arg6 : memref<40x128xi32, #tpu.memory_space<vmem>>) target_semaphore(%run_scoped3A_99 : memref<!tpu.dma_semaphore, #tpu.memory_space<semaphore_mem>>)
      %dma_wait3A_104 = arith.constant 0 : i32
      %dma_wait3A_105 = tpu.memref_slice %arg3[%add3A_9, %dma_wait3A_104] : memref<2560x128xi32, #tpu.memory_space<hbm>> -> memref<40x128xi32, #tpu.memory_space<hbm>>
      %dma_wait3A_106 = arith.constant 0 : i32
      %dma_wait3A_107 = tpu.memref_slice %arg3[%add3A_9, %dma_wait3A_106] : memref<2560x128xi32, #tpu.memory_space<hbm>> -> memref<40x128xi32, #tpu.memory_space<hbm>>
      tpu.wait_dma2 semaphore(%run_scoped3A_99 : memref<!tpu.dma_semaphore, #tpu.memory_space<semaphore_mem>>) src(%dma_wait3A_107 : memref<40x128xi32, #tpu.memory_space<hbm>>) dst(%arg6 : memref<40x128xi32, #tpu.memory_space<vmem>>)
      tpu.yield
    }) : () -> ()
    %mul3A_10 = arith.constant 80 : i32
    %mul3A_11 = arith.muli %add3A, %mul3A_10 : i32
    %add3A_12 = arith.constant 0 : i32
    %add3A_13 = arith.addi %mul3A_11, %add3A_12 : i32
    "tpu.region"() ({
      %run_scoped3A_99 = tpu.sem_alloc : memref<!tpu.dma_semaphore, #tpu.memory_space<semaphore_mem>>
      %dma_start3A_100 = arith.constant 0 : i32
      %dma_start3A_101 = tpu.memref_slice %arg4[%add3A_13, %dma_start3A_100] : memref<2560x128xi32, #tpu.memory_space<hbm>> -> memref<40x128xi32, #tpu.memory_space<hbm>>
      %dma_start3A_102 = arith.constant 0 : i32
      %dma_start3A_103 = tpu.memref_slice %arg4[%add3A_13, %dma_start3A_102] : memref<2560x128xi32, #tpu.memory_space<hbm>> -> memref<40x128xi32, #tpu.memory_space<hbm>>
      tpu.enqueue_dma source(%dma_start3A_103 : memref<40x128xi32, #tpu.memory_space<hbm>>) target(%arg7 : memref<40x128xi32, #tpu.memory_space<vmem>>) target_semaphore(%run_scoped3A_99 : memref<!tpu.dma_semaphore, #tpu.memory_space<semaphore_mem>>)
      %dma_wait3A_104 = arith.constant 0 : i32
      %dma_wait3A_105 = tpu.memref_slice %arg4[%add3A_13, %dma_wait3A_104] : memref<2560x128xi32, #tpu.memory_space<hbm>> -> memref<40x128xi32, #tpu.memory_space<hbm>>
      %dma_wait3A_106 = arith.constant 0 : i32
      %dma_wait3A_107 = tpu.memref_slice %arg4[%add3A_13, %dma_wait3A_106] : memref<2560x128xi32, #tpu.memory_space<hbm>> -> memref<40x128xi32, #tpu.memory_space<hbm>>
      tpu.wait_dma2 semaphore(%run_scoped3A_99 : memref<!tpu.dma_semaphore, #tpu.memory_space<semaphore_mem>>) src(%dma_wait3A_107 : memref<40x128xi32, #tpu.memory_space<hbm>>) dst(%arg7 : memref<40x128xi32, #tpu.memory_space<vmem>>)
      tpu.yield
    }) : () -> ()
    %dma_wait3A = arith.constant 0 : i32
    %dma_wait3A_14 = tpu.memref_slice %arg13[%mul3A_2, %dma_wait3A] : memref<10240x128xf32, #tpu.memory_space<vmem_shared>> -> memref<640x128xf32, #tpu.memory_space<vmem_shared>>
    %dma_wait3A_15 = arith.constant 0 : i32
    %dma_wait3A_16 = tpu.memref_slice %arg2[%mul3A_2, %dma_wait3A_15] : memref<10240x128xf32, #tpu.memory_space<hbm>> -> memref<640x128xf32, #tpu.memory_space<hbm>>
    tpu.wait_dma2 semaphore(%arg12 : memref<!tpu.dma_semaphore, #tpu.memory_space<semaphore_mem>>) src(%dma_wait3A_16 : memref<640x128xf32, #tpu.memory_space<hbm>>) dst(%dma_wait3A_14 : memref<640x128xf32, #tpu.memory_space<vmem_shared>>)
    %barrier3A = arith.constant 0 : index
    tpu.barrier barrier_id(%barrier3A)
    %dma_start3A_17 = arith.constant 0 : i32
    %dma_start3A_18 = arith.constant 0 : i32
    %dma_start3A_19 = tpu.memref_slice %arg6[%dma_start3A_17, %dma_start3A_18] : memref<40x128xi32, #tpu.memory_space<vmem>> -> memref<1x128xi32, #tpu.memory_space<vmem>>
    %dma_start3A_20 = tpu.memref_squeeze %dma_start3A_19 : memref<1x128xi32, #tpu.memory_space<vmem>> -> memref<128xi32, #tpu.memory_space<vmem>>
    %dma_start3A_21 = arith.constant 0 : i32
    %dma_start3A_22 = arith.constant 0 : i32
    %dma_start3A_23 = tpu.memref_slice %arg2[%dma_start3A_21, %dma_start3A_22] : memref<10240x128xf32, #tpu.memory_space<hbm>> -> memref<10240x128xf32, #tpu.memory_space<hbm>>
    tpu.enqueue_indirect_dma source(%dma_start3A_23 : memref<10240x128xf32, #tpu.memory_space<hbm>>) target(%arg8 : memref<128x128xf32, #tpu.memory_space<vmem>>) offsets(%dma_start3A_20 : memref<128xi32, #tpu.memory_space<vmem>>) semaphore(%arg10 : memref<!tpu.dma_semaphore, #tpu.memory_space<semaphore_mem>>)
    %scan3A = arith.constant 0 : i32
    %scan3A_24 = arith.constant 0 : i32
    %scan3A_25 = arith.constant 19 : i32
    %scan3A_26 = arith.addi %scan3A_24, %scan3A_25 : i32
    %scan3A_27 = arith.constant 1 : i32
    scf.for %scan3A_99 = %scan3A_24 to %scan3A_26 step %scan3A_27  : i32 {
      %mul3A_100 = arith.constant 2 : i32
      %mul3A_101 = arith.muli %mul3A_100, %scan3A_99 : i32
      %add3A_102 = arith.constant 1 : i32
      %add3A_103 = arith.addi %mul3A_101, %add3A_102 : i32
      %dma_start3A_104 = arith.constant 0 : i32
      %dma_start3A_105 = tpu.memref_slice %arg6[%add3A_103, %dma_start3A_104] : memref<40x128xi32, #tpu.memory_space<vmem>> -> memref<1x128xi32, #tpu.memory_space<vmem>>
      %dma_start3A_106 = tpu.memref_squeeze %dma_start3A_105 : memref<1x128xi32, #tpu.memory_space<vmem>> -> memref<128xi32, #tpu.memory_space<vmem>>
      %dma_start3A_107 = arith.constant 0 : i32
      %dma_start3A_108 = arith.constant 0 : i32
      %dma_start3A_109 = tpu.memref_slice %arg2[%dma_start3A_107, %dma_start3A_108] : memref<10240x128xf32, #tpu.memory_space<hbm>> -> memref<10240x128xf32, #tpu.memory_space<hbm>>
      tpu.enqueue_indirect_dma source(%dma_start3A_109 : memref<10240x128xf32, #tpu.memory_space<hbm>>) target(%arg9 : memref<128x128xf32, #tpu.memory_space<vmem>>) offsets(%dma_start3A_106 : memref<128xi32, #tpu.memory_space<vmem>>) semaphore(%arg11 : memref<!tpu.dma_semaphore, #tpu.memory_space<semaphore_mem>>)
      %dma_wait3A_110 = arith.constant 0 : i32
      %dma_wait3A_111 = tpu.memref_slice %arg6[%mul3A_101, %dma_wait3A_110] : memref<40x128xi32, #tpu.memory_space<vmem>> -> memref<1x128xi32, #tpu.memory_space<vmem>>
      %dma_wait3A_112 = tpu.memref_squeeze %dma_wait3A_111 : memref<1x128xi32, #tpu.memory_space<vmem>> -> memref<128xi32, #tpu.memory_space<vmem>>
      %dma_wait3A_113 = arith.constant 0 : i32
      %dma_wait3A_114 = arith.constant 0 : i32
      %dma_wait3A_115 = tpu.memref_slice %arg2[%dma_wait3A_113, %dma_wait3A_114] : memref<10240x128xf32, #tpu.memory_space<hbm>> -> memref<10240x128xf32, #tpu.memory_space<hbm>>
      tpu.wait_indirect_dma semaphore(%arg10 : memref<!tpu.dma_semaphore, #tpu.memory_space<semaphore_mem>>) src(%dma_wait3A_115 : memref<10240x128xf32, #tpu.memory_space<hbm>>) dst(%arg8 : memref<128x128xf32, #tpu.memory_space<vmem>>)
      "tpu.region"() ({
        %run_scoped3A_134 = tpu.sem_alloc : memref<!tpu.dma_semaphore, #tpu.memory_space<semaphore_mem>>
        %dma_start3A_135 = arith.constant 0 : i32
        %dma_start3A_136 = tpu.memref_slice %arg7[%mul3A_101, %dma_start3A_135] : memref<40x128xi32, #tpu.memory_space<vmem>> -> memref<1x128xi32, #tpu.memory_space<vmem>>
        %dma_start3A_137 = tpu.memref_squeeze %dma_start3A_136 : memref<1x128xi32, #tpu.memory_space<vmem>> -> memref<128xi32, #tpu.memory_space<vmem>>
        %dma_start3A_138 = arith.constant 0 : i32
        %dma_start3A_139 = arith.constant 0 : i32
        %dma_start3A_140 = tpu.memref_slice %arg13[%dma_start3A_138, %dma_start3A_139] : memref<10240x128xf32, #tpu.memory_space<vmem_shared>> -> memref<10240x128xf32, #tpu.memory_space<vmem_shared>>
        tpu.enqueue_indirect_dma source(%arg8 : memref<128x128xf32, #tpu.memory_space<vmem>>) target(%dma_start3A_140 : memref<10240x128xf32, #tpu.memory_space<vmem_shared>>) offsets(%dma_start3A_137 : memref<128xi32, #tpu.memory_space<vmem>>) semaphore(%run_scoped3A_134 : memref<!tpu.dma_semaphore, #tpu.memory_space<semaphore_mem>>) {add = true}
        %dma_wait3A_141 = arith.constant 0 : i32
        %dma_wait3A_142 = tpu.memref_slice %arg7[%mul3A_101, %dma_wait3A_141] : memref<40x128xi32, #tpu.memory_space<vmem>> -> memref<1x128xi32, #tpu.memory_space<vmem>>
        %dma_wait3A_143 = tpu.memref_squeeze %dma_wait3A_142 : memref<1x128xi32, #tpu.memory_space<vmem>> -> memref<128xi32, #tpu.memory_space<vmem>>
        %dma_wait3A_144 = arith.constant 0 : i32
        %dma_wait3A_145 = arith.constant 0 : i32
        %dma_wait3A_146 = tpu.memref_slice %arg13[%dma_wait3A_144, %dma_wait3A_145] : memref<10240x128xf32, #tpu.memory_space<vmem_shared>> -> memref<10240x128xf32, #tpu.memory_space<vmem_shared>>
        tpu.wait_indirect_dma semaphore(%run_scoped3A_134 : memref<!tpu.dma_semaphore, #tpu.memory_space<semaphore_mem>>) src(%arg8 : memref<128x128xf32, #tpu.memory_space<vmem>>) dst(%dma_wait3A_146 : memref<10240x128xf32, #tpu.memory_space<vmem_shared>>)
        tpu.yield
      }) : () -> ()
      %add3A_116 = arith.constant 2 : i32
      %add3A_117 = arith.addi %mul3A_101, %add3A_116 : i32
      %dma_start3A_118 = arith.constant 0 : i32
      %dma_start3A_119 = tpu.memref_slice %arg6[%add3A_117, %dma_start3A_118] : memref<40x128xi32, #tpu.memory_space<vmem>> -> memref<1x128xi32, #tpu.memory_space<vmem>>
      %dma_start3A_120 = tpu.memref_squeeze %dma_start3A_119 : memref<1x128xi32, #tpu.memory_space<vmem>> -> memref<128xi32, #tpu.memory_space<vmem>>
      %dma_start3A_121 = arith.constant 0 : i32
      %dma_start3A_122 = arith.constant 0 : i32
      %dma_start3A_123 = tpu.memref_slice %arg2[%dma_start3A_121, %dma_start3A_122] : memref<10240x128xf32, #tpu.memory_space<hbm>> -> memref<10240x128xf32, #tpu.memory_space<hbm>>
      tpu.enqueue_indirect_dma source(%dma_start3A_123 : memref<10240x128xf32, #tpu.memory_space<hbm>>) target(%arg8 : memref<128x128xf32, #tpu.memory_space<vmem>>) offsets(%dma_start3A_120 : memref<128xi32, #tpu.memory_space<vmem>>) semaphore(%arg10 : memref<!tpu.dma_semaphore, #tpu.memory_space<semaphore_mem>>)
      %add3A_124 = arith.constant 1 : i32
      %add3A_125 = arith.addi %mul3A_101, %add3A_124 : i32
      %dma_wait3A_126 = arith.constant 0 : i32
      %dma_wait3A_127 = tpu.memref_slice %arg6[%add3A_125, %dma_wait3A_126] : memref<40x128xi32, #tpu.memory_space<vmem>> -> memref<1x128xi32, #tpu.memory_space<vmem>>
      %dma_wait3A_128 = tpu.memref_squeeze %dma_wait3A_127 : memref<1x128xi32, #tpu.memory_space<vmem>> -> memref<128xi32, #tpu.memory_space<vmem>>
      %dma_wait3A_129 = arith.constant 0 : i32
      %dma_wait3A_130 = arith.constant 0 : i32
      %dma_wait3A_131 = tpu.memref_slice %arg2[%dma_wait3A_129, %dma_wait3A_130] : memref<10240x128xf32, #tpu.memory_space<hbm>> -> memref<10240x128xf32, #tpu.memory_space<hbm>>
      tpu.wait_indirect_dma semaphore(%arg11 : memref<!tpu.dma_semaphore, #tpu.memory_space<semaphore_mem>>) src(%dma_wait3A_131 : memref<10240x128xf32, #tpu.memory_space<hbm>>) dst(%arg9 : memref<128x128xf32, #tpu.memory_space<vmem>>)
      %add3A_132 = arith.constant 1 : i32
      %add3A_133 = arith.addi %mul3A_101, %add3A_132 : i32
      "tpu.region"() ({
        %run_scoped3A_134 = tpu.sem_alloc : memref<!tpu.dma_semaphore, #tpu.memory_space<semaphore_mem>>
        %dma_start3A_135 = arith.constant 0 : i32
        %dma_start3A_136 = tpu.memref_slice %arg7[%add3A_133, %dma_start3A_135] : memref<40x128xi32, #tpu.memory_space<vmem>> -> memref<1x128xi32, #tpu.memory_space<vmem>>
        %dma_start3A_137 = tpu.memref_squeeze %dma_start3A_136 : memref<1x128xi32, #tpu.memory_space<vmem>> -> memref<128xi32, #tpu.memory_space<vmem>>
        %dma_start3A_138 = arith.constant 0 : i32
        %dma_start3A_139 = arith.constant 0 : i32
        %dma_start3A_140 = tpu.memref_slice %arg13[%dma_start3A_138, %dma_start3A_139] : memref<10240x128xf32, #tpu.memory_space<vmem_shared>> -> memref<10240x128xf32, #tpu.memory_space<vmem_shared>>
        tpu.enqueue_indirect_dma source(%arg9 : memref<128x128xf32, #tpu.memory_space<vmem>>) target(%dma_start3A_140 : memref<10240x128xf32, #tpu.memory_space<vmem_shared>>) offsets(%dma_start3A_137 : memref<128xi32, #tpu.memory_space<vmem>>) semaphore(%run_scoped3A_134 : memref<!tpu.dma_semaphore, #tpu.memory_space<semaphore_mem>>) {add = true}
        %dma_wait3A_141 = arith.constant 0 : i32
        %dma_wait3A_142 = tpu.memref_slice %arg7[%add3A_133, %dma_wait3A_141] : memref<40x128xi32, #tpu.memory_space<vmem>> -> memref<1x128xi32, #tpu.memory_space<vmem>>
        %dma_wait3A_143 = tpu.memref_squeeze %dma_wait3A_142 : memref<1x128xi32, #tpu.memory_space<vmem>> -> memref<128xi32, #tpu.memory_space<vmem>>
        %dma_wait3A_144 = arith.constant 0 : i32
        %dma_wait3A_145 = arith.constant 0 : i32
        %dma_wait3A_146 = tpu.memref_slice %arg13[%dma_wait3A_144, %dma_wait3A_145] : memref<10240x128xf32, #tpu.memory_space<vmem_shared>> -> memref<10240x128xf32, #tpu.memory_space<vmem_shared>>
        tpu.wait_indirect_dma semaphore(%run_scoped3A_134 : memref<!tpu.dma_semaphore, #tpu.memory_space<semaphore_mem>>) src(%arg9 : memref<128x128xf32, #tpu.memory_space<vmem>>) dst(%dma_wait3A_146 : memref<10240x128xf32, #tpu.memory_space<vmem_shared>>)
        tpu.yield
      }) : () -> ()
    }
    %scan3A_28 = arith.constant 19 : i32
    %dma_start3A_29 = arith.constant 39 : i32
    %dma_start3A_30 = arith.constant 0 : i32
    %dma_start3A_31 = tpu.memref_slice %arg6[%dma_start3A_29, %dma_start3A_30] : memref<40x128xi32, #tpu.memory_space<vmem>> -> memref<1x128xi32, #tpu.memory_space<vmem>>
    %dma_start3A_32 = tpu.memref_squeeze %dma_start3A_31 : memref<1x128xi32, #tpu.memory_space<vmem>> -> memref<128xi32, #tpu.memory_space<vmem>>
    %dma_start3A_33 = arith.constant 0 : i32
    %dma_start3A_34 = arith.constant 0 : i32
    %dma_start3A_35 = tpu.memref_slice %arg2[%dma_start3A_33, %dma_start3A_34] : memref<10240x128xf32, #tpu.memory_space<hbm>> -> memref<10240x128xf32, #tpu.memory_space<hbm>>
    tpu.enqueue_indirect_dma source(%dma_start3A_35 : memref<10240x128xf32, #tpu.memory_space<hbm>>) target(%arg9 : memref<128x128xf32, #tpu.memory_space<vmem>>) offsets(%dma_start3A_32 : memref<128xi32, #tpu.memory_space<vmem>>) semaphore(%arg11 : memref<!tpu.dma_semaphore, #tpu.memory_space<semaphore_mem>>)
    %dma_wait3A_36 = arith.constant 38 : i32
    %dma_wait3A_37 = arith.constant 0 : i32
    %dma_wait3A_38 = tpu.memref_slice %arg6[%dma_wait3A_36, %dma_wait3A_37] : memref<40x128xi32, #tpu.memory_space<vmem>> -> memref<1x128xi32, #tpu.memory_space<vmem>>
    %dma_wait3A_39 = tpu.memref_squeeze %dma_wait3A_38 : memref<1x128xi32, #tpu.memory_space<vmem>> -> memref<128xi32, #tpu.memory_space<vmem>>
    %dma_wait3A_40 = arith.constant 0 : i32
    %dma_wait3A_41 = arith.constant 0 : i32
    %dma_wait3A_42 = tpu.memref_slice %arg2[%dma_wait3A_40, %dma_wait3A_41] : memref<10240x128xf32, #tpu.memory_space<hbm>> -> memref<10240x128xf32, #tpu.memory_space<hbm>>
    tpu.wait_indirect_dma semaphore(%arg10 : memref<!tpu.dma_semaphore, #tpu.memory_space<semaphore_mem>>) src(%dma_wait3A_42 : memref<10240x128xf32, #tpu.memory_space<hbm>>) dst(%arg8 : memref<128x128xf32, #tpu.memory_space<vmem>>)
    %run_scoped3A = arith.constant 38 : i32
    "tpu.region"() ({
      %run_scoped3A_99 = tpu.sem_alloc : memref<!tpu.dma_semaphore, #tpu.memory_space<semaphore_mem>>
      %dma_start3A_100 = arith.constant 0 : i32
      %dma_start3A_101 = tpu.memref_slice %arg7[%run_scoped3A, %dma_start3A_100] : memref<40x128xi32, #tpu.memory_space<vmem>> -> memref<1x128xi32, #tpu.memory_space<vmem>>
      %dma_start3A_102 = tpu.memref_squeeze %dma_start3A_101 : memref<1x128xi32, #tpu.memory_space<vmem>> -> memref<128xi32, #tpu.memory_space<vmem>>
      %dma_start3A_103 = arith.constant 0 : i32
      %dma_start3A_104 = arith.constant 0 : i32
      %dma_start3A_105 = tpu.memref_slice %arg13[%dma_start3A_103, %dma_start3A_104] : memref<10240x128xf32, #tpu.memory_space<vmem_shared>> -> memref<10240x128xf32, #tpu.memory_space<vmem_shared>>
      tpu.enqueue_indirect_dma source(%arg8 : memref<128x128xf32, #tpu.memory_space<vmem>>) target(%dma_start3A_105 : memref<10240x128xf32, #tpu.memory_space<vmem_shared>>) offsets(%dma_start3A_102 : memref<128xi32, #tpu.memory_space<vmem>>) semaphore(%run_scoped3A_99 : memref<!tpu.dma_semaphore, #tpu.memory_space<semaphore_mem>>) {add = true}
      %dma_wait3A_106 = arith.constant 0 : i32
      %dma_wait3A_107 = tpu.memref_slice %arg7[%run_scoped3A, %dma_wait3A_106] : memref<40x128xi32, #tpu.memory_space<vmem>> -> memref<1x128xi32, #tpu.memory_space<vmem>>
      %dma_wait3A_108 = tpu.memref_squeeze %dma_wait3A_107 : memref<1x128xi32, #tpu.memory_space<vmem>> -> memref<128xi32, #tpu.memory_space<vmem>>
      %dma_wait3A_109 = arith.constant 0 : i32
      %dma_wait3A_110 = arith.constant 0 : i32
      %dma_wait3A_111 = tpu.memref_slice %arg13[%dma_wait3A_109, %dma_wait3A_110] : memref<10240x128xf32, #tpu.memory_space<vmem_shared>> -> memref<10240x128xf32, #tpu.memory_space<vmem_shared>>
      tpu.wait_indirect_dma semaphore(%run_scoped3A_99 : memref<!tpu.dma_semaphore, #tpu.memory_space<semaphore_mem>>) src(%arg8 : memref<128x128xf32, #tpu.memory_space<vmem>>) dst(%dma_wait3A_111 : memref<10240x128xf32, #tpu.memory_space<vmem_shared>>)
      tpu.yield
    }) : () -> ()
    %dma_wait3A_43 = arith.constant 39 : i32
    %dma_wait3A_44 = arith.constant 0 : i32
    %dma_wait3A_45 = tpu.memref_slice %arg6[%dma_wait3A_43, %dma_wait3A_44] : memref<40x128xi32, #tpu.memory_space<vmem>> -> memref<1x128xi32, #tpu.memory_space<vmem>>
    %dma_wait3A_46 = tpu.memref_squeeze %dma_wait3A_45 : memref<1x128xi32, #tpu.memory_space<vmem>> -> memref<128xi32, #tpu.memory_space<vmem>>
    %dma_wait3A_47 = arith.constant 0 : i32
    %dma_wait3A_48 = arith.constant 0 : i32
    %dma_wait3A_49 = tpu.memref_slice %arg2[%dma_wait3A_47, %dma_wait3A_48] : memref<10240x128xf32, #tpu.memory_space<hbm>> -> memref<10240x128xf32, #tpu.memory_space<hbm>>
    tpu.wait_indirect_dma semaphore(%arg11 : memref<!tpu.dma_semaphore, #tpu.memory_space<semaphore_mem>>) src(%dma_wait3A_49 : memref<10240x128xf32, #tpu.memory_space<hbm>>) dst(%arg9 : memref<128x128xf32, #tpu.memory_space<vmem>>)
    %run_scoped3A_50 = arith.constant 39 : i32
    "tpu.region"() ({
      %run_scoped3A_99 = tpu.sem_alloc : memref<!tpu.dma_semaphore, #tpu.memory_space<semaphore_mem>>
      %dma_start3A_100 = arith.constant 0 : i32
      %dma_start3A_101 = tpu.memref_slice %arg7[%run_scoped3A_50, %dma_start3A_100] : memref<40x128xi32, #tpu.memory_space<vmem>> -> memref<1x128xi32, #tpu.memory_space<vmem>>
      %dma_start3A_102 = tpu.memref_squeeze %dma_start3A_101 : memref<1x128xi32, #tpu.memory_space<vmem>> -> memref<128xi32, #tpu.memory_space<vmem>>
      %dma_start3A_103 = arith.constant 0 : i32
      %dma_start3A_104 = arith.constant 0 : i32
      %dma_start3A_105 = tpu.memref_slice %arg13[%dma_start3A_103, %dma_start3A_104] : memref<10240x128xf32, #tpu.memory_space<vmem_shared>> -> memref<10240x128xf32, #tpu.memory_space<vmem_shared>>
      tpu.enqueue_indirect_dma source(%arg9 : memref<128x128xf32, #tpu.memory_space<vmem>>) target(%dma_start3A_105 : memref<10240x128xf32, #tpu.memory_space<vmem_shared>>) offsets(%dma_start3A_102 : memref<128xi32, #tpu.memory_space<vmem>>) semaphore(%run_scoped3A_99 : memref<!tpu.dma_semaphore, #tpu.memory_space<semaphore_mem>>) {add = true}
      %dma_wait3A_106 = arith.constant 0 : i32
      %dma_wait3A_107 = tpu.memref_slice %arg7[%run_scoped3A_50, %dma_wait3A_106] : memref<40x128xi32, #tpu.memory_space<vmem>> -> memref<1x128xi32, #tpu.memory_space<vmem>>
      %dma_wait3A_108 = tpu.memref_squeeze %dma_wait3A_107 : memref<1x128xi32, #tpu.memory_space<vmem>> -> memref<128xi32, #tpu.memory_space<vmem>>
      %dma_wait3A_109 = arith.constant 0 : i32
      %dma_wait3A_110 = arith.constant 0 : i32
      %dma_wait3A_111 = tpu.memref_slice %arg13[%dma_wait3A_109, %dma_wait3A_110] : memref<10240x128xf32, #tpu.memory_space<vmem_shared>> -> memref<10240x128xf32, #tpu.memory_space<vmem_shared>>
      tpu.wait_indirect_dma semaphore(%run_scoped3A_99 : memref<!tpu.dma_semaphore, #tpu.memory_space<semaphore_mem>>) src(%arg9 : memref<128x128xf32, #tpu.memory_space<vmem>>) dst(%dma_wait3A_111 : memref<10240x128xf32, #tpu.memory_space<vmem_shared>>)
      tpu.yield
    }) : () -> ()
    %mul3A_51 = arith.constant 80 : i32
    %mul3A_52 = arith.muli %add3A, %mul3A_51 : i32
    %add3A_53 = arith.constant 40 : i32
    %add3A_54 = arith.addi %mul3A_52, %add3A_53 : i32
    "tpu.region"() ({
      %run_scoped3A_99 = tpu.sem_alloc : memref<!tpu.dma_semaphore, #tpu.memory_space<semaphore_mem>>
      %dma_start3A_100 = arith.constant 0 : i32
      %dma_start3A_101 = tpu.memref_slice %arg3[%add3A_54, %dma_start3A_100] : memref<2560x128xi32, #tpu.memory_space<hbm>> -> memref<40x128xi32, #tpu.memory_space<hbm>>
      %dma_start3A_102 = arith.constant 0 : i32
      %dma_start3A_103 = tpu.memref_slice %arg3[%add3A_54, %dma_start3A_102] : memref<2560x128xi32, #tpu.memory_space<hbm>> -> memref<40x128xi32, #tpu.memory_space<hbm>>
      tpu.enqueue_dma source(%dma_start3A_103 : memref<40x128xi32, #tpu.memory_space<hbm>>) target(%arg6 : memref<40x128xi32, #tpu.memory_space<vmem>>) target_semaphore(%run_scoped3A_99 : memref<!tpu.dma_semaphore, #tpu.memory_space<semaphore_mem>>)
      %dma_wait3A_104 = arith.constant 0 : i32
      %dma_wait3A_105 = tpu.memref_slice %arg3[%add3A_54, %dma_wait3A_104] : memref<2560x128xi32, #tpu.memory_space<hbm>> -> memref<40x128xi32, #tpu.memory_space<hbm>>
      %dma_wait3A_106 = arith.constant 0 : i32
      %dma_wait3A_107 = tpu.memref_slice %arg3[%add3A_54, %dma_wait3A_106] : memref<2560x128xi32, #tpu.memory_space<hbm>> -> memref<40x128xi32, #tpu.memory_space<hbm>>
      tpu.wait_dma2 semaphore(%run_scoped3A_99 : memref<!tpu.dma_semaphore, #tpu.memory_space<semaphore_mem>>) src(%dma_wait3A_107 : memref<40x128xi32, #tpu.memory_space<hbm>>) dst(%arg6 : memref<40x128xi32, #tpu.memory_space<vmem>>)
      tpu.yield
    }) : () -> ()
    %mul3A_55 = arith.constant 80 : i32
    %mul3A_56 = arith.muli %add3A, %mul3A_55 : i32
    %add3A_57 = arith.constant 40 : i32
    %add3A_58 = arith.addi %mul3A_56, %add3A_57 : i32
    "tpu.region"() ({
      %run_scoped3A_99 = tpu.sem_alloc : memref<!tpu.dma_semaphore, #tpu.memory_space<semaphore_mem>>
      %dma_start3A_100 = arith.constant 0 : i32
      %dma_start3A_101 = tpu.memref_slice %arg4[%add3A_58, %dma_start3A_100] : memref<2560x128xi32, #tpu.memory_space<hbm>> -> memref<40x128xi32, #tpu.memory_space<hbm>>
      %dma_start3A_102 = arith.constant 0 : i32
      %dma_start3A_103 = tpu.memref_slice %arg4[%add3A_58, %dma_start3A_102] : memref<2560x128xi32, #tpu.memory_space<hbm>> -> memref<40x128xi32, #tpu.memory_space<hbm>>
      tpu.enqueue_dma source(%dma_start3A_103 : memref<40x128xi32, #tpu.memory_space<hbm>>) target(%arg7 : memref<40x128xi32, #tpu.memory_space<vmem>>) target_semaphore(%run_scoped3A_99 : memref<!tpu.dma_semaphore, #tpu.memory_space<semaphore_mem>>)
      %dma_wait3A_104 = arith.constant 0 : i32
      %dma_wait3A_105 = tpu.memref_slice %arg4[%add3A_58, %dma_wait3A_104] : memref<2560x128xi32, #tpu.memory_space<hbm>> -> memref<40x128xi32, #tpu.memory_space<hbm>>
      %dma_wait3A_106 = arith.constant 0 : i32
      %dma_wait3A_107 = tpu.memref_slice %arg4[%add3A_58, %dma_wait3A_106] : memref<2560x128xi32, #tpu.memory_space<hbm>> -> memref<40x128xi32, #tpu.memory_space<hbm>>
      tpu.wait_dma2 semaphore(%run_scoped3A_99 : memref<!tpu.dma_semaphore, #tpu.memory_space<semaphore_mem>>) src(%dma_wait3A_107 : memref<40x128xi32, #tpu.memory_space<hbm>>) dst(%arg7 : memref<40x128xi32, #tpu.memory_space<vmem>>)
      tpu.yield
    }) : () -> ()
    %dma_start3A_59 = arith.constant 0 : i32
    %dma_start3A_60 = arith.constant 0 : i32
    %dma_start3A_61 = tpu.memref_slice %arg6[%dma_start3A_59, %dma_start3A_60] : memref<40x128xi32, #tpu.memory_space<vmem>> -> memref<1x128xi32, #tpu.memory_space<vmem>>
    %dma_start3A_62 = tpu.memref_squeeze %dma_start3A_61 : memref<1x128xi32, #tpu.memory_space<vmem>> -> memref<128xi32, #tpu.memory_space<vmem>>
    %dma_start3A_63 = arith.constant 0 : i32
    %dma_start3A_64 = arith.constant 0 : i32
    %dma_start3A_65 = tpu.memref_slice %arg2[%dma_start3A_63, %dma_start3A_64] : memref<10240x128xf32, #tpu.memory_space<hbm>> -> memref<10240x128xf32, #tpu.memory_space<hbm>>
    tpu.enqueue_indirect_dma source(%dma_start3A_65 : memref<10240x128xf32, #tpu.memory_space<hbm>>) target(%arg8 : memref<128x128xf32, #tpu.memory_space<vmem>>) offsets(%dma_start3A_62 : memref<128xi32, #tpu.memory_space<vmem>>) semaphore(%arg10 : memref<!tpu.dma_semaphore, #tpu.memory_space<semaphore_mem>>)
    %scan3A_66 = arith.constant 0 : i32
    %scan3A_67 = arith.constant 0 : i32
    %scan3A_68 = arith.constant 19 : i32
    %scan3A_69 = arith.addi %scan3A_67, %scan3A_68 : i32
    %scan3A_70 = arith.constant 1 : i32
    scf.for %scan3A_99 = %scan3A_67 to %scan3A_69 step %scan3A_70  : i32 {
      %mul3A_100 = arith.constant 2 : i32
      %mul3A_101 = arith.muli %mul3A_100, %scan3A_99 : i32
      %add3A_102 = arith.constant 1 : i32
      %add3A_103 = arith.addi %mul3A_101, %add3A_102 : i32
      %dma_start3A_104 = arith.constant 0 : i32
      %dma_start3A_105 = tpu.memref_slice %arg6[%add3A_103, %dma_start3A_104] : memref<40x128xi32, #tpu.memory_space<vmem>> -> memref<1x128xi32, #tpu.memory_space<vmem>>
      %dma_start3A_106 = tpu.memref_squeeze %dma_start3A_105 : memref<1x128xi32, #tpu.memory_space<vmem>> -> memref<128xi32, #tpu.memory_space<vmem>>
      %dma_start3A_107 = arith.constant 0 : i32
      %dma_start3A_108 = arith.constant 0 : i32
      %dma_start3A_109 = tpu.memref_slice %arg2[%dma_start3A_107, %dma_start3A_108] : memref<10240x128xf32, #tpu.memory_space<hbm>> -> memref<10240x128xf32, #tpu.memory_space<hbm>>
      tpu.enqueue_indirect_dma source(%dma_start3A_109 : memref<10240x128xf32, #tpu.memory_space<hbm>>) target(%arg9 : memref<128x128xf32, #tpu.memory_space<vmem>>) offsets(%dma_start3A_106 : memref<128xi32, #tpu.memory_space<vmem>>) semaphore(%arg11 : memref<!tpu.dma_semaphore, #tpu.memory_space<semaphore_mem>>)
      %dma_wait3A_110 = arith.constant 0 : i32
      %dma_wait3A_111 = tpu.memref_slice %arg6[%mul3A_101, %dma_wait3A_110] : memref<40x128xi32, #tpu.memory_space<vmem>> -> memref<1x128xi32, #tpu.memory_space<vmem>>
      %dma_wait3A_112 = tpu.memref_squeeze %dma_wait3A_111 : memref<1x128xi32, #tpu.memory_space<vmem>> -> memref<128xi32, #tpu.memory_space<vmem>>
      %dma_wait3A_113 = arith.constant 0 : i32
      %dma_wait3A_114 = arith.constant 0 : i32
      %dma_wait3A_115 = tpu.memref_slice %arg2[%dma_wait3A_113, %dma_wait3A_114] : memref<10240x128xf32, #tpu.memory_space<hbm>> -> memref<10240x128xf32, #tpu.memory_space<hbm>>
      tpu.wait_indirect_dma semaphore(%arg10 : memref<!tpu.dma_semaphore, #tpu.memory_space<semaphore_mem>>) src(%dma_wait3A_115 : memref<10240x128xf32, #tpu.memory_space<hbm>>) dst(%arg8 : memref<128x128xf32, #tpu.memory_space<vmem>>)
      "tpu.region"() ({
        %run_scoped3A_134 = tpu.sem_alloc : memref<!tpu.dma_semaphore, #tpu.memory_space<semaphore_mem>>
        %dma_start3A_135 = arith.constant 0 : i32
        %dma_start3A_136 = tpu.memref_slice %arg7[%mul3A_101, %dma_start3A_135] : memref<40x128xi32, #tpu.memory_space<vmem>> -> memref<1x128xi32, #tpu.memory_space<vmem>>
        %dma_start3A_137 = tpu.memref_squeeze %dma_start3A_136 : memref<1x128xi32, #tpu.memory_space<vmem>> -> memref<128xi32, #tpu.memory_space<vmem>>
        %dma_start3A_138 = arith.constant 0 : i32
        %dma_start3A_139 = arith.constant 0 : i32
        %dma_start3A_140 = tpu.memref_slice %arg13[%dma_start3A_138, %dma_start3A_139] : memref<10240x128xf32, #tpu.memory_space<vmem_shared>> -> memref<10240x128xf32, #tpu.memory_space<vmem_shared>>
        tpu.enqueue_indirect_dma source(%arg8 : memref<128x128xf32, #tpu.memory_space<vmem>>) target(%dma_start3A_140 : memref<10240x128xf32, #tpu.memory_space<vmem_shared>>) offsets(%dma_start3A_137 : memref<128xi32, #tpu.memory_space<vmem>>) semaphore(%run_scoped3A_134 : memref<!tpu.dma_semaphore, #tpu.memory_space<semaphore_mem>>) {add = true}
        %dma_wait3A_141 = arith.constant 0 : i32
        %dma_wait3A_142 = tpu.memref_slice %arg7[%mul3A_101, %dma_wait3A_141] : memref<40x128xi32, #tpu.memory_space<vmem>> -> memref<1x128xi32, #tpu.memory_space<vmem>>
        %dma_wait3A_143 = tpu.memref_squeeze %dma_wait3A_142 : memref<1x128xi32, #tpu.memory_space<vmem>> -> memref<128xi32, #tpu.memory_space<vmem>>
        %dma_wait3A_144 = arith.constant 0 : i32
        %dma_wait3A_145 = arith.constant 0 : i32
        %dma_wait3A_146 = tpu.memref_slice %arg13[%dma_wait3A_144, %dma_wait3A_145] : memref<10240x128xf32, #tpu.memory_space<vmem_shared>> -> memref<10240x128xf32, #tpu.memory_space<vmem_shared>>
        tpu.wait_indirect_dma semaphore(%run_scoped3A_134 : memref<!tpu.dma_semaphore, #tpu.memory_space<semaphore_mem>>) src(%arg8 : memref<128x128xf32, #tpu.memory_space<vmem>>) dst(%dma_wait3A_146 : memref<10240x128xf32, #tpu.memory_space<vmem_shared>>)
        tpu.yield
      }) : () -> ()
      %add3A_116 = arith.constant 2 : i32
      %add3A_117 = arith.addi %mul3A_101, %add3A_116 : i32
      %dma_start3A_118 = arith.constant 0 : i32
      %dma_start3A_119 = tpu.memref_slice %arg6[%add3A_117, %dma_start3A_118] : memref<40x128xi32, #tpu.memory_space<vmem>> -> memref<1x128xi32, #tpu.memory_space<vmem>>
      %dma_start3A_120 = tpu.memref_squeeze %dma_start3A_119 : memref<1x128xi32, #tpu.memory_space<vmem>> -> memref<128xi32, #tpu.memory_space<vmem>>
      %dma_start3A_121 = arith.constant 0 : i32
      %dma_start3A_122 = arith.constant 0 : i32
      %dma_start3A_123 = tpu.memref_slice %arg2[%dma_start3A_121, %dma_start3A_122] : memref<10240x128xf32, #tpu.memory_space<hbm>> -> memref<10240x128xf32, #tpu.memory_space<hbm>>
      tpu.enqueue_indirect_dma source(%dma_start3A_123 : memref<10240x128xf32, #tpu.memory_space<hbm>>) target(%arg8 : memref<128x128xf32, #tpu.memory_space<vmem>>) offsets(%dma_start3A_120 : memref<128xi32, #tpu.memory_space<vmem>>) semaphore(%arg10 : memref<!tpu.dma_semaphore, #tpu.memory_space<semaphore_mem>>)
      %add3A_124 = arith.constant 1 : i32
      %add3A_125 = arith.addi %mul3A_101, %add3A_124 : i32
      %dma_wait3A_126 = arith.constant 0 : i32
      %dma_wait3A_127 = tpu.memref_slice %arg6[%add3A_125, %dma_wait3A_126] : memref<40x128xi32, #tpu.memory_space<vmem>> -> memref<1x128xi32, #tpu.memory_space<vmem>>
      %dma_wait3A_128 = tpu.memref_squeeze %dma_wait3A_127 : memref<1x128xi32, #tpu.memory_space<vmem>> -> memref<128xi32, #tpu.memory_space<vmem>>
      %dma_wait3A_129 = arith.constant 0 : i32
      %dma_wait3A_130 = arith.constant 0 : i32
      %dma_wait3A_131 = tpu.memref_slice %arg2[%dma_wait3A_129, %dma_wait3A_130] : memref<10240x128xf32, #tpu.memory_space<hbm>> -> memref<10240x128xf32, #tpu.memory_space<hbm>>
      tpu.wait_indirect_dma semaphore(%arg11 : memref<!tpu.dma_semaphore, #tpu.memory_space<semaphore_mem>>) src(%dma_wait3A_131 : memref<10240x128xf32, #tpu.memory_space<hbm>>) dst(%arg9 : memref<128x128xf32, #tpu.memory_space<vmem>>)
      %add3A_132 = arith.constant 1 : i32
      %add3A_133 = arith.addi %mul3A_101, %add3A_132 : i32
      "tpu.region"() ({
        %run_scoped3A_134 = tpu.sem_alloc : memref<!tpu.dma_semaphore, #tpu.memory_space<semaphore_mem>>
        %dma_start3A_135 = arith.constant 0 : i32
        %dma_start3A_136 = tpu.memref_slice %arg7[%add3A_133, %dma_start3A_135] : memref<40x128xi32, #tpu.memory_space<vmem>> -> memref<1x128xi32, #tpu.memory_space<vmem>>
        %dma_start3A_137 = tpu.memref_squeeze %dma_start3A_136 : memref<1x128xi32, #tpu.memory_space<vmem>> -> memref<128xi32, #tpu.memory_space<vmem>>
        %dma_start3A_138 = arith.constant 0 : i32
        %dma_start3A_139 = arith.constant 0 : i32
        %dma_start3A_140 = tpu.memref_slice %arg13[%dma_start3A_138, %dma_start3A_139] : memref<10240x128xf32, #tpu.memory_space<vmem_shared>> -> memref<10240x128xf32, #tpu.memory_space<vmem_shared>>
        tpu.enqueue_indirect_dma source(%arg9 : memref<128x128xf32, #tpu.memory_space<vmem>>) target(%dma_start3A_140 : memref<10240x128xf32, #tpu.memory_space<vmem_shared>>) offsets(%dma_start3A_137 : memref<128xi32, #tpu.memory_space<vmem>>) semaphore(%run_scoped3A_134 : memref<!tpu.dma_semaphore, #tpu.memory_space<semaphore_mem>>) {add = true}
        %dma_wait3A_141 = arith.constant 0 : i32
        %dma_wait3A_142 = tpu.memref_slice %arg7[%add3A_133, %dma_wait3A_141] : memref<40x128xi32, #tpu.memory_space<vmem>> -> memref<1x128xi32, #tpu.memory_space<vmem>>
        %dma_wait3A_143 = tpu.memref_squeeze %dma_wait3A_142 : memref<1x128xi32, #tpu.memory_space<vmem>> -> memref<128xi32, #tpu.memory_space<vmem>>
        %dma_wait3A_144 = arith.constant 0 : i32
        %dma_wait3A_145 = arith.constant 0 : i32
        %dma_wait3A_146 = tpu.memref_slice %arg13[%dma_wait3A_144, %dma_wait3A_145] : memref<10240x128xf32, #tpu.memory_space<vmem_shared>> -> memref<10240x128xf32, #tpu.memory_space<vmem_shared>>
        tpu.wait_indirect_dma semaphore(%run_scoped3A_134 : memref<!tpu.dma_semaphore, #tpu.memory_space<semaphore_mem>>) src(%arg9 : memref<128x128xf32, #tpu.memory_space<vmem>>) dst(%dma_wait3A_146 : memref<10240x128xf32, #tpu.memory_space<vmem_shared>>)
        tpu.yield
      }) : () -> ()
    }
    %scan3A_71 = arith.constant 19 : i32
    %dma_start3A_72 = arith.constant 39 : i32
    %dma_start3A_73 = arith.constant 0 : i32
    %dma_start3A_74 = tpu.memref_slice %arg6[%dma_start3A_72, %dma_start3A_73] : memref<40x128xi32, #tpu.memory_space<vmem>> -> memref<1x128xi32, #tpu.memory_space<vmem>>
    %dma_start3A_75 = tpu.memref_squeeze %dma_start3A_74 : memref<1x128xi32, #tpu.memory_space<vmem>> -> memref<128xi32, #tpu.memory_space<vmem>>
    %dma_start3A_76 = arith.constant 0 : i32
    %dma_start3A_77 = arith.constant 0 : i32
    %dma_start3A_78 = tpu.memref_slice %arg2[%dma_start3A_76, %dma_start3A_77] : memref<10240x128xf32, #tpu.memory_space<hbm>> -> memref<10240x128xf32, #tpu.memory_space<hbm>>
    tpu.enqueue_indirect_dma source(%dma_start3A_78 : memref<10240x128xf32, #tpu.memory_space<hbm>>) target(%arg9 : memref<128x128xf32, #tpu.memory_space<vmem>>) offsets(%dma_start3A_75 : memref<128xi32, #tpu.memory_space<vmem>>) semaphore(%arg11 : memref<!tpu.dma_semaphore, #tpu.memory_space<semaphore_mem>>)
    %dma_wait3A_79 = arith.constant 38 : i32
    %dma_wait3A_80 = arith.constant 0 : i32
    %dma_wait3A_81 = tpu.memref_slice %arg6[%dma_wait3A_79, %dma_wait3A_80] : memref<40x128xi32, #tpu.memory_space<vmem>> -> memref<1x128xi32, #tpu.memory_space<vmem>>
    %dma_wait3A_82 = tpu.memref_squeeze %dma_wait3A_81 : memref<1x128xi32, #tpu.memory_space<vmem>> -> memref<128xi32, #tpu.memory_space<vmem>>
    %dma_wait3A_83 = arith.constant 0 : i32
    %dma_wait3A_84 = arith.constant 0 : i32
    %dma_wait3A_85 = tpu.memref_slice %arg2[%dma_wait3A_83, %dma_wait3A_84] : memref<10240x128xf32, #tpu.memory_space<hbm>> -> memref<10240x128xf32, #tpu.memory_space<hbm>>
    tpu.wait_indirect_dma semaphore(%arg10 : memref<!tpu.dma_semaphore, #tpu.memory_space<semaphore_mem>>) src(%dma_wait3A_85 : memref<10240x128xf32, #tpu.memory_space<hbm>>) dst(%arg8 : memref<128x128xf32, #tpu.memory_space<vmem>>)
    %run_scoped3A_86 = arith.constant 38 : i32
    "tpu.region"() ({
      %run_scoped3A_99 = tpu.sem_alloc : memref<!tpu.dma_semaphore, #tpu.memory_space<semaphore_mem>>
      %dma_start3A_100 = arith.constant 0 : i32
      %dma_start3A_101 = tpu.memref_slice %arg7[%run_scoped3A_86, %dma_start3A_100] : memref<40x128xi32, #tpu.memory_space<vmem>> -> memref<1x128xi32, #tpu.memory_space<vmem>>
      %dma_start3A_102 = tpu.memref_squeeze %dma_start3A_101 : memref<1x128xi32, #tpu.memory_space<vmem>> -> memref<128xi32, #tpu.memory_space<vmem>>
      %dma_start3A_103 = arith.constant 0 : i32
      %dma_start3A_104 = arith.constant 0 : i32
      %dma_start3A_105 = tpu.memref_slice %arg13[%dma_start3A_103, %dma_start3A_104] : memref<10240x128xf32, #tpu.memory_space<vmem_shared>> -> memref<10240x128xf32, #tpu.memory_space<vmem_shared>>
      tpu.enqueue_indirect_dma source(%arg8 : memref<128x128xf32, #tpu.memory_space<vmem>>) target(%dma_start3A_105 : memref<10240x128xf32, #tpu.memory_space<vmem_shared>>) offsets(%dma_start3A_102 : memref<128xi32, #tpu.memory_space<vmem>>) semaphore(%run_scoped3A_99 : memref<!tpu.dma_semaphore, #tpu.memory_space<semaphore_mem>>) {add = true}
      %dma_wait3A_106 = arith.constant 0 : i32
      %dma_wait3A_107 = tpu.memref_slice %arg7[%run_scoped3A_86, %dma_wait3A_106] : memref<40x128xi32, #tpu.memory_space<vmem>> -> memref<1x128xi32, #tpu.memory_space<vmem>>
      %dma_wait3A_108 = tpu.memref_squeeze %dma_wait3A_107 : memref<1x128xi32, #tpu.memory_space<vmem>> -> memref<128xi32, #tpu.memory_space<vmem>>
      %dma_wait3A_109 = arith.constant 0 : i32
      %dma_wait3A_110 = arith.constant 0 : i32
      %dma_wait3A_111 = tpu.memref_slice %arg13[%dma_wait3A_109, %dma_wait3A_110] : memref<10240x128xf32, #tpu.memory_space<vmem_shared>> -> memref<10240x128xf32, #tpu.memory_space<vmem_shared>>
      tpu.wait_indirect_dma semaphore(%run_scoped3A_99 : memref<!tpu.dma_semaphore, #tpu.memory_space<semaphore_mem>>) src(%arg8 : memref<128x128xf32, #tpu.memory_space<vmem>>) dst(%dma_wait3A_111 : memref<10240x128xf32, #tpu.memory_space<vmem_shared>>)
      tpu.yield
    }) : () -> ()
    %dma_wait3A_87 = arith.constant 39 : i32
    %dma_wait3A_88 = arith.constant 0 : i32
    %dma_wait3A_89 = tpu.memref_slice %arg6[%dma_wait3A_87, %dma_wait3A_88] : memref<40x128xi32, #tpu.memory_space<vmem>> -> memref<1x128xi32, #tpu.memory_space<vmem>>
    %dma_wait3A_90 = tpu.memref_squeeze %dma_wait3A_89 : memref<1x128xi32, #tpu.memory_space<vmem>> -> memref<128xi32, #tpu.memory_space<vmem>>
    %dma_wait3A_91 = arith.constant 0 : i32
    %dma_wait3A_92 = arith.constant 0 : i32
    %dma_wait3A_93 = tpu.memref_slice %arg2[%dma_wait3A_91, %dma_wait3A_92] : memref<10240x128xf32, #tpu.memory_space<hbm>> -> memref<10240x128xf32, #tpu.memory_space<hbm>>
    tpu.wait_indirect_dma semaphore(%arg11 : memref<!tpu.dma_semaphore, #tpu.memory_space<semaphore_mem>>) src(%dma_wait3A_93 : memref<10240x128xf32, #tpu.memory_space<hbm>>) dst(%arg9 : memref<128x128xf32, #tpu.memory_space<vmem>>)
    %run_scoped3A_94 = arith.constant 39 : i32
    "tpu.region"() ({
      %run_scoped3A_99 = tpu.sem_alloc : memref<!tpu.dma_semaphore, #tpu.memory_space<semaphore_mem>>
      %dma_start3A_100 = arith.constant 0 : i32
      %dma_start3A_101 = tpu.memref_slice %arg7[%run_scoped3A_94, %dma_start3A_100] : memref<40x128xi32, #tpu.memory_space<vmem>> -> memref<1x128xi32, #tpu.memory_space<vmem>>
      %dma_start3A_102 = tpu.memref_squeeze %dma_start3A_101 : memref<1x128xi32, #tpu.memory_space<vmem>> -> memref<128xi32, #tpu.memory_space<vmem>>
      %dma_start3A_103 = arith.constant 0 : i32
      %dma_start3A_104 = arith.constant 0 : i32
      %dma_start3A_105 = tpu.memref_slice %arg13[%dma_start3A_103, %dma_start3A_104] : memref<10240x128xf32, #tpu.memory_space<vmem_shared>> -> memref<10240x128xf32, #tpu.memory_space<vmem_shared>>
      tpu.enqueue_indirect_dma source(%arg9 : memref<128x128xf32, #tpu.memory_space<vmem>>) target(%dma_start3A_105 : memref<10240x128xf32, #tpu.memory_space<vmem_shared>>) offsets(%dma_start3A_102 : memref<128xi32, #tpu.memory_space<vmem>>) semaphore(%run_scoped3A_99 : memref<!tpu.dma_semaphore, #tpu.memory_space<semaphore_mem>>) {add = true}
      %dma_wait3A_106 = arith.constant 0 : i32
      %dma_wait3A_107 = tpu.memref_slice %arg7[%run_scoped3A_94, %dma_wait3A_106] : memref<40x128xi32, #tpu.memory_space<vmem>> -> memref<1x128xi32, #tpu.memory_space<vmem>>
      %dma_wait3A_108 = tpu.memref_squeeze %dma_wait3A_107 : memref<1x128xi32, #tpu.memory_space<vmem>> -> memref<128xi32, #tpu.memory_space<vmem>>
      %dma_wait3A_109 = arith.constant 0 : i32
      %dma_wait3A_110 = arith.constant 0 : i32
      %dma_wait3A_111 = tpu.memref_slice %arg13[%dma_wait3A_109, %dma_wait3A_110] : memref<10240x128xf32, #tpu.memory_space<vmem_shared>> -> memref<10240x128xf32, #tpu.memory_space<vmem_shared>>
      tpu.wait_indirect_dma semaphore(%run_scoped3A_99 : memref<!tpu.dma_semaphore, #tpu.memory_space<semaphore_mem>>) src(%arg9 : memref<128x128xf32, #tpu.memory_space<vmem>>) dst(%dma_wait3A_111 : memref<10240x128xf32, #tpu.memory_space<vmem_shared>>)
      tpu.yield
    }) : () -> ()
    %barrier3A_95 = arith.constant 0 : index
    tpu.barrier barrier_id(%barrier3A_95)
    %mul3A_96 = arith.constant 10240 : i32
    %mul3A_97 = arith.muli %arg0, %mul3A_96 : i32
    %add3A_98 = arith.addi %mul3A_97, %mul3A_2 : i32
    "tpu.region"() ({
      %run_scoped3A_99 = tpu.sem_alloc : memref<!tpu.dma_semaphore, #tpu.memory_space<semaphore_mem>>
      %dma_start3A_100 = arith.constant 0 : i32
      %dma_start3A_101 = tpu.memref_slice %arg5[%add3A_98, %dma_start3A_100] : memref<20480x128xf32, #tpu.memory_space<hbm>> -> memref<640x128xf32, #tpu.memory_space<hbm>>
      %dma_start3A_102 = arith.constant 0 : i32
      %dma_start3A_103 = tpu.memref_slice %arg13[%mul3A_2, %dma_start3A_102] : memref<10240x128xf32, #tpu.memory_space<vmem_shared>> -> memref<640x128xf32, #tpu.memory_space<vmem_shared>>
      tpu.enqueue_dma source(%dma_start3A_103 : memref<640x128xf32, #tpu.memory_space<vmem_shared>>) target(%dma_start3A_101 : memref<640x128xf32, #tpu.memory_space<hbm>>) target_semaphore(%run_scoped3A_99 : memref<!tpu.dma_semaphore, #tpu.memory_space<semaphore_mem>>)
      %dma_wait3A_104 = arith.constant 0 : i32
      %dma_wait3A_105 = tpu.memref_slice %arg5[%add3A_98, %dma_wait3A_104] : memref<20480x128xf32, #tpu.memory_space<hbm>> -> memref<640x128xf32, #tpu.memory_space<hbm>>
      %dma_wait3A_106 = arith.constant 0 : i32
      %dma_wait3A_107 = tpu.memref_slice %arg13[%mul3A_2, %dma_wait3A_106] : memref<10240x128xf32, #tpu.memory_space<vmem_shared>> -> memref<640x128xf32, #tpu.memory_space<vmem_shared>>
      tpu.wait_dma2 semaphore(%run_scoped3A_99 : memref<!tpu.dma_semaphore, #tpu.memory_space<semaphore_mem>>) src(%dma_wait3A_107 : memref<640x128xf32, #tpu.memory_space<vmem_shared>>) dst(%dma_wait3A_105 : memref<640x128xf32, #tpu.memory_space<hbm>>)
      tpu.yield
    }) : () -> ()
    return
  }
}

#map = affine_map<(d0, d1) -> (0, 0)>
#map1 = affine_map<(d0, d1) -> (0)>
module attributes {stable_mosaic.version = 14 : i64} {
  func.func @_deg_sc(%arg0: i32, %arg1: i32, %arg2: memref<2560x128xi32, #tpu.memory_space<hbm>>, %arg3: memref<128xf32, #tpu.memory_space<hbm>>, %arg4: memref<10240xf32, #tpu.memory_space<hbm>>, %arg5: memref<20480xf32, #tpu.memory_space<hbm>>, %arg6: memref<80x128xi32, #tpu.memory_space<vmem>>, %arg7: memref<128xf32, #tpu.memory_space<vmem>>, %arg8: memref<10240xf32, #tpu.memory_space<vmem_shared>>) attributes {dimension_semantics = [#tpu.dimension_semantics<core_parallel>, #tpu.dimension_semantics<subcore_parallel>], iteration_bounds = array<i64: 2, 16>, scalar_prefetch = 0 : i64, scratch_operands = 3 : i64, tpu.core_type = #tpu.core_type<sc_vector_subcore>, window_params = [{transform_indices = #map}, {transform_indices = #map1}, {transform_indices = #map1}, {transform_indices = #map1}]} {
    %mul3A = arith.constant 16 : i32
    %mul3A_0 = arith.muli %arg0, %mul3A : i32
    %add3A = arith.addi %mul3A_0, %arg1 : i32
    %mul3A_1 = arith.constant 80 : i32
    %mul3A_2 = arith.muli %add3A, %mul3A_1 : i32
    "tpu.region"() ({
      %run_scoped3A = tpu.sem_alloc : memref<!tpu.dma_semaphore, #tpu.memory_space<semaphore_mem>>
      %dma_start3A = arith.constant 0 : i32
      %dma_start3A_20 = tpu.memref_slice %arg2[%mul3A_2, %dma_start3A] : memref<2560x128xi32, #tpu.memory_space<hbm>> -> memref<80x128xi32, #tpu.memory_space<hbm>>
      %dma_start3A_21 = arith.constant 0 : i32
      %dma_start3A_22 = tpu.memref_slice %arg2[%mul3A_2, %dma_start3A_21] : memref<2560x128xi32, #tpu.memory_space<hbm>> -> memref<80x128xi32, #tpu.memory_space<hbm>>
      tpu.enqueue_dma source(%dma_start3A_22 : memref<80x128xi32, #tpu.memory_space<hbm>>) target(%arg6 : memref<80x128xi32, #tpu.memory_space<vmem>>) target_semaphore(%run_scoped3A : memref<!tpu.dma_semaphore, #tpu.memory_space<semaphore_mem>>)
      %dma_wait3A = arith.constant 0 : i32
      %dma_wait3A_23 = tpu.memref_slice %arg2[%mul3A_2, %dma_wait3A] : memref<2560x128xi32, #tpu.memory_space<hbm>> -> memref<80x128xi32, #tpu.memory_space<hbm>>
      %dma_wait3A_24 = arith.constant 0 : i32
      %dma_wait3A_25 = tpu.memref_slice %arg2[%mul3A_2, %dma_wait3A_24] : memref<2560x128xi32, #tpu.memory_space<hbm>> -> memref<80x128xi32, #tpu.memory_space<hbm>>
      tpu.wait_dma2 semaphore(%run_scoped3A : memref<!tpu.dma_semaphore, #tpu.memory_space<semaphore_mem>>) src(%dma_wait3A_25 : memref<80x128xi32, #tpu.memory_space<hbm>>) dst(%arg6 : memref<80x128xi32, #tpu.memory_space<vmem>>)
      tpu.yield
    }) : () -> ()
    "tpu.region"() ({
      %run_scoped3A = tpu.sem_alloc : memref<!tpu.dma_semaphore, #tpu.memory_space<semaphore_mem>>
      tpu.enqueue_dma source(%arg3 : memref<128xf32, #tpu.memory_space<hbm>>) target(%arg7 : memref<128xf32, #tpu.memory_space<vmem>>) target_semaphore(%run_scoped3A : memref<!tpu.dma_semaphore, #tpu.memory_space<semaphore_mem>>)
      tpu.wait_dma2 semaphore(%run_scoped3A : memref<!tpu.dma_semaphore, #tpu.memory_space<semaphore_mem>>) src(%arg3 : memref<128xf32, #tpu.memory_space<hbm>>) dst(%arg7 : memref<128xf32, #tpu.memory_space<vmem>>)
      tpu.yield
    }) : () -> ()
    %mul3A_3 = arith.constant 640 : i32
    %mul3A_4 = arith.muli %arg1, %mul3A_3 : i32
    %mul3A_5 = arith.constant 640 : i32
    %mul3A_6 = arith.muli %arg1, %mul3A_5 : i32
    "tpu.region"() ({
      %run_scoped3A = tpu.sem_alloc : memref<!tpu.dma_semaphore, #tpu.memory_space<semaphore_mem>>
      %dma_start3A = tpu.memref_slice %arg8[%mul3A_6] : memref<10240xf32, #tpu.memory_space<vmem_shared>> -> memref<640xf32, #tpu.memory_space<vmem_shared>>
      %dma_start3A_20 = tpu.memref_slice %arg4[%mul3A_4] : memref<10240xf32, #tpu.memory_space<hbm>> -> memref<640xf32, #tpu.memory_space<hbm>>
      tpu.enqueue_dma source(%dma_start3A_20 : memref<640xf32, #tpu.memory_space<hbm>>) target(%dma_start3A : memref<640xf32, #tpu.memory_space<vmem_shared>>) target_semaphore(%run_scoped3A : memref<!tpu.dma_semaphore, #tpu.memory_space<semaphore_mem>>)
      %dma_wait3A = tpu.memref_slice %arg8[%mul3A_6] : memref<10240xf32, #tpu.memory_space<vmem_shared>> -> memref<640xf32, #tpu.memory_space<vmem_shared>>
      %dma_wait3A_21 = tpu.memref_slice %arg4[%mul3A_4] : memref<10240xf32, #tpu.memory_space<hbm>> -> memref<640xf32, #tpu.memory_space<hbm>>
      tpu.wait_dma2 semaphore(%run_scoped3A : memref<!tpu.dma_semaphore, #tpu.memory_space<semaphore_mem>>) src(%dma_wait3A_21 : memref<640xf32, #tpu.memory_space<hbm>>) dst(%dma_wait3A : memref<640xf32, #tpu.memory_space<vmem_shared>>)
      tpu.yield
    }) : () -> ()
    %barrier3A = arith.constant 0 : index
    tpu.barrier barrier_id(%barrier3A)
    %scan3A = arith.constant 0 : i32
    %scan3A_7 = arith.constant 0 : i32
    %scan3A_8 = arith.constant 80 : i32
    %scan3A_9 = arith.addi %scan3A_7, %scan3A_8 : i32
    %scan3A_10 = arith.constant 1 : i32
    scf.for %scan3A_20 = %scan3A_7 to %scan3A_9 step %scan3A_10  : i32 {
      "tpu.region"() ({
        %run_scoped3A = tpu.sem_alloc : memref<!tpu.dma_semaphore, #tpu.memory_space<semaphore_mem>>
        %dma_start3A = arith.constant 0 : i32
        %dma_start3A_21 = tpu.memref_slice %arg6[%scan3A_20, %dma_start3A] : memref<80x128xi32, #tpu.memory_space<vmem>> -> memref<1x128xi32, #tpu.memory_space<vmem>>
        %dma_start3A_22 = tpu.memref_squeeze %dma_start3A_21 : memref<1x128xi32, #tpu.memory_space<vmem>> -> memref<128xi32, #tpu.memory_space<vmem>>
        %dma_start3A_23 = arith.constant 0 : i32
        %dma_start3A_24 = tpu.memref_slice %arg8[%dma_start3A_23] : memref<10240xf32, #tpu.memory_space<vmem_shared>> -> memref<10240xf32, #tpu.memory_space<vmem_shared>>
        tpu.enqueue_indirect_dma source(%arg7 : memref<128xf32, #tpu.memory_space<vmem>>) target(%dma_start3A_24 : memref<10240xf32, #tpu.memory_space<vmem_shared>>) offsets(%dma_start3A_22 : memref<128xi32, #tpu.memory_space<vmem>>) semaphore(%run_scoped3A : memref<!tpu.dma_semaphore, #tpu.memory_space<semaphore_mem>>) {add = true}
        %dma_wait3A = arith.constant 0 : i32
        %dma_wait3A_25 = tpu.memref_slice %arg6[%scan3A_20, %dma_wait3A] : memref<80x128xi32, #tpu.memory_space<vmem>> -> memref<1x128xi32, #tpu.memory_space<vmem>>
        %dma_wait3A_26 = tpu.memref_squeeze %dma_wait3A_25 : memref<1x128xi32, #tpu.memory_space<vmem>> -> memref<128xi32, #tpu.memory_space<vmem>>
        %dma_wait3A_27 = arith.constant 0 : i32
        %dma_wait3A_28 = tpu.memref_slice %arg8[%dma_wait3A_27] : memref<10240xf32, #tpu.memory_space<vmem_shared>> -> memref<10240xf32, #tpu.memory_space<vmem_shared>>
        tpu.wait_indirect_dma semaphore(%run_scoped3A : memref<!tpu.dma_semaphore, #tpu.memory_space<semaphore_mem>>) src(%arg7 : memref<128xf32, #tpu.memory_space<vmem>>) dst(%dma_wait3A_28 : memref<10240xf32, #tpu.memory_space<vmem_shared>>)
        tpu.yield
      }) : () -> ()
    }
    %scan3A_11 = arith.constant 80 : i32
    %barrier3A_12 = arith.constant 0 : index
    tpu.barrier barrier_id(%barrier3A_12)
    %mul3A_13 = arith.constant 640 : i32
    %mul3A_14 = arith.muli %arg1, %mul3A_13 : i32
    %mul3A_15 = arith.constant 10240 : i32
    %mul3A_16 = arith.muli %arg0, %mul3A_15 : i32
    %mul3A_17 = arith.constant 640 : i32
    %mul3A_18 = arith.muli %arg1, %mul3A_17 : i32
    %add3A_19 = arith.addi %mul3A_16, %mul3A_18 : i32
    "tpu.region"() ({
      %run_scoped3A = tpu.sem_alloc : memref<!tpu.dma_semaphore, #tpu.memory_space<semaphore_mem>>
      %dma_start3A = tpu.memref_slice %arg5[%add3A_19] : memref<20480xf32, #tpu.memory_space<hbm>> -> memref<640xf32, #tpu.memory_space<hbm>>
      %dma_start3A_20 = tpu.memref_slice %arg8[%mul3A_14] : memref<10240xf32, #tpu.memory_space<vmem_shared>> -> memref<640xf32, #tpu.memory_space<vmem_shared>>
      tpu.enqueue_dma source(%dma_start3A_20 : memref<640xf32, #tpu.memory_space<vmem_shared>>) target(%dma_start3A : memref<640xf32, #tpu.memory_space<hbm>>) target_semaphore(%run_scoped3A : memref<!tpu.dma_semaphore, #tpu.memory_space<semaphore_mem>>)
      %dma_wait3A = tpu.memref_slice %arg5[%add3A_19] : memref<20480xf32, #tpu.memory_space<hbm>> -> memref<640xf32, #tpu.memory_space<hbm>>
      %dma_wait3A_21 = tpu.memref_slice %arg8[%mul3A_14] : memref<10240xf32, #tpu.memory_space<vmem_shared>> -> memref<640xf32, #tpu.memory_space<vmem_shared>>
      tpu.wait_dma2 semaphore(%run_scoped3A : memref<!tpu.dma_semaphore, #tpu.memory_space<semaphore_mem>>) src(%dma_wait3A_21 : memref<640xf32, #tpu.memory_space<vmem_shared>>) dst(%dma_wait3A : memref<640xf32, #tpu.memory_space<hbm>>)
      tpu.yield
    }) : () -> ()
    return
  }
}

#map = affine_map<(d0, d1) -> (0, 0)>
module attributes {stable_mosaic.version = 14 : i64} {
  func.func @_agg_sc(%arg0: i32, %arg1: i32, %arg2: memref<10240x128xf32, #tpu.memory_space<hbm>>, %arg3: memref<2560x128xi32, #tpu.memory_space<hbm>>, %arg4: memref<2560x128xi32, #tpu.memory_space<hbm>>, %arg5: memref<20480x128xf32, #tpu.memory_space<hbm>>, %arg6: memref<40x128xi32, #tpu.memory_space<vmem>>, %arg7: memref<40x128xi32, #tpu.memory_space<vmem>>, %arg8: memref<128x128xf32, #tpu.memory_space<vmem>>, %arg9: memref<128x128xf32, #tpu.memory_space<vmem>>, %arg10: memref<!tpu.dma_semaphore, #tpu.memory_space<semaphore_mem>>, %arg11: memref<!tpu.dma_semaphore, #tpu.memory_space<semaphore_mem>>, %arg12: memref<!tpu.dma_semaphore, #tpu.memory_space<semaphore_mem>>, %arg13: memref<10240x128xf32, #tpu.memory_space<vmem_shared>>) attributes {dimension_semantics = [#tpu.dimension_semantics<core_parallel>, #tpu.dimension_semantics<subcore_parallel>], iteration_bounds = array<i64: 2, 16>, scalar_prefetch = 0 : i64, scratch_operands = 8 : i64, tpu.core_type = #tpu.core_type<sc_vector_subcore>, window_params = [{transform_indices = #map}, {transform_indices = #map}, {transform_indices = #map}, {transform_indices = #map}]} {
    %mul3A = arith.constant 16 : i32
    %mul3A_0 = arith.muli %arg0, %mul3A : i32
    %add3A = arith.addi %mul3A_0, %arg1 : i32
    %mul3A_1 = arith.constant 640 : i32
    %mul3A_2 = arith.muli %arg1, %mul3A_1 : i32
    %dma_start3A = arith.constant 0 : i32
    %dma_start3A_3 = tpu.memref_slice %arg13[%mul3A_2, %dma_start3A] : memref<10240x128xf32, #tpu.memory_space<vmem_shared>> -> memref<640x128xf32, #tpu.memory_space<vmem_shared>>
    %dma_start3A_4 = arith.constant 0 : i32
    %dma_start3A_5 = tpu.memref_slice %arg2[%mul3A_2, %dma_start3A_4] : memref<10240x128xf32, #tpu.memory_space<hbm>> -> memref<640x128xf32, #tpu.memory_space<hbm>>
    tpu.enqueue_dma source(%dma_start3A_5 : memref<640x128xf32, #tpu.memory_space<hbm>>) target(%dma_start3A_3 : memref<640x128xf32, #tpu.memory_space<vmem_shared>>) target_semaphore(%arg12 : memref<!tpu.dma_semaphore, #tpu.memory_space<semaphore_mem>>)
    %mul3A_6 = arith.constant 80 : i32
    %mul3A_7 = arith.muli %add3A, %mul3A_6 : i32
    %add3A_8 = arith.constant 0 : i32
    %add3A_9 = arith.addi %mul3A_7, %add3A_8 : i32
    "tpu.region"() ({
      %run_scoped3A_99 = tpu.sem_alloc : memref<!tpu.dma_semaphore, #tpu.memory_space<semaphore_mem>>
      %dma_start3A_100 = arith.constant 0 : i32
      %dma_start3A_101 = tpu.memref_slice %arg3[%add3A_9, %dma_start3A_100] : memref<2560x128xi32, #tpu.memory_space<hbm>> -> memref<40x128xi32, #tpu.memory_space<hbm>>
      %dma_start3A_102 = arith.constant 0 : i32
      %dma_start3A_103 = tpu.memref_slice %arg3[%add3A_9, %dma_start3A_102] : memref<2560x128xi32, #tpu.memory_space<hbm>> -> memref<40x128xi32, #tpu.memory_space<hbm>>
      tpu.enqueue_dma source(%dma_start3A_103 : memref<40x128xi32, #tpu.memory_space<hbm>>) target(%arg6 : memref<40x128xi32, #tpu.memory_space<vmem>>) target_semaphore(%run_scoped3A_99 : memref<!tpu.dma_semaphore, #tpu.memory_space<semaphore_mem>>)
      %dma_wait3A_104 = arith.constant 0 : i32
      %dma_wait3A_105 = tpu.memref_slice %arg3[%add3A_9, %dma_wait3A_104] : memref<2560x128xi32, #tpu.memory_space<hbm>> -> memref<40x128xi32, #tpu.memory_space<hbm>>
      %dma_wait3A_106 = arith.constant 0 : i32
      %dma_wait3A_107 = tpu.memref_slice %arg3[%add3A_9, %dma_wait3A_106] : memref<2560x128xi32, #tpu.memory_space<hbm>> -> memref<40x128xi32, #tpu.memory_space<hbm>>
      tpu.wait_dma2 semaphore(%run_scoped3A_99 : memref<!tpu.dma_semaphore, #tpu.memory_space<semaphore_mem>>) src(%dma_wait3A_107 : memref<40x128xi32, #tpu.memory_space<hbm>>) dst(%arg6 : memref<40x128xi32, #tpu.memory_space<vmem>>)
      tpu.yield
    }) : () -> ()
    %mul3A_10 = arith.constant 80 : i32
    %mul3A_11 = arith.muli %add3A, %mul3A_10 : i32
    %add3A_12 = arith.constant 0 : i32
    %add3A_13 = arith.addi %mul3A_11, %add3A_12 : i32
    "tpu.region"() ({
      %run_scoped3A_99 = tpu.sem_alloc : memref<!tpu.dma_semaphore, #tpu.memory_space<semaphore_mem>>
      %dma_start3A_100 = arith.constant 0 : i32
      %dma_start3A_101 = tpu.memref_slice %arg4[%add3A_13, %dma_start3A_100] : memref<2560x128xi32, #tpu.memory_space<hbm>> -> memref<40x128xi32, #tpu.memory_space<hbm>>
      %dma_start3A_102 = arith.constant 0 : i32
      %dma_start3A_103 = tpu.memref_slice %arg4[%add3A_13, %dma_start3A_102] : memref<2560x128xi32, #tpu.memory_space<hbm>> -> memref<40x128xi32, #tpu.memory_space<hbm>>
      tpu.enqueue_dma source(%dma_start3A_103 : memref<40x128xi32, #tpu.memory_space<hbm>>) target(%arg7 : memref<40x128xi32, #tpu.memory_space<vmem>>) target_semaphore(%run_scoped3A_99 : memref<!tpu.dma_semaphore, #tpu.memory_space<semaphore_mem>>)
      %dma_wait3A_104 = arith.constant 0 : i32
      %dma_wait3A_105 = tpu.memref_slice %arg4[%add3A_13, %dma_wait3A_104] : memref<2560x128xi32, #tpu.memory_space<hbm>> -> memref<40x128xi32, #tpu.memory_space<hbm>>
      %dma_wait3A_106 = arith.constant 0 : i32
      %dma_wait3A_107 = tpu.memref_slice %arg4[%add3A_13, %dma_wait3A_106] : memref<2560x128xi32, #tpu.memory_space<hbm>> -> memref<40x128xi32, #tpu.memory_space<hbm>>
      tpu.wait_dma2 semaphore(%run_scoped3A_99 : memref<!tpu.dma_semaphore, #tpu.memory_space<semaphore_mem>>) src(%dma_wait3A_107 : memref<40x128xi32, #tpu.memory_space<hbm>>) dst(%arg7 : memref<40x128xi32, #tpu.memory_space<vmem>>)
      tpu.yield
    }) : () -> ()
    %dma_wait3A = arith.constant 0 : i32
    %dma_wait3A_14 = tpu.memref_slice %arg13[%mul3A_2, %dma_wait3A] : memref<10240x128xf32, #tpu.memory_space<vmem_shared>> -> memref<640x128xf32, #tpu.memory_space<vmem_shared>>
    %dma_wait3A_15 = arith.constant 0 : i32
    %dma_wait3A_16 = tpu.memref_slice %arg2[%mul3A_2, %dma_wait3A_15] : memref<10240x128xf32, #tpu.memory_space<hbm>> -> memref<640x128xf32, #tpu.memory_space<hbm>>
    tpu.wait_dma2 semaphore(%arg12 : memref<!tpu.dma_semaphore, #tpu.memory_space<semaphore_mem>>) src(%dma_wait3A_16 : memref<640x128xf32, #tpu.memory_space<hbm>>) dst(%dma_wait3A_14 : memref<640x128xf32, #tpu.memory_space<vmem_shared>>)
    %barrier3A = arith.constant 0 : index
    tpu.barrier barrier_id(%barrier3A)
    %dma_start3A_17 = arith.constant 0 : i32
    %dma_start3A_18 = arith.constant 0 : i32
    %dma_start3A_19 = tpu.memref_slice %arg6[%dma_start3A_17, %dma_start3A_18] : memref<40x128xi32, #tpu.memory_space<vmem>> -> memref<1x128xi32, #tpu.memory_space<vmem>>
    %dma_start3A_20 = tpu.memref_squeeze %dma_start3A_19 : memref<1x128xi32, #tpu.memory_space<vmem>> -> memref<128xi32, #tpu.memory_space<vmem>>
    %dma_start3A_21 = arith.constant 0 : i32
    %dma_start3A_22 = arith.constant 0 : i32
    %dma_start3A_23 = tpu.memref_slice %arg2[%dma_start3A_21, %dma_start3A_22] : memref<10240x128xf32, #tpu.memory_space<hbm>> -> memref<10240x128xf32, #tpu.memory_space<hbm>>
    tpu.enqueue_indirect_dma source(%dma_start3A_23 : memref<10240x128xf32, #tpu.memory_space<hbm>>) target(%arg8 : memref<128x128xf32, #tpu.memory_space<vmem>>) offsets(%dma_start3A_20 : memref<128xi32, #tpu.memory_space<vmem>>) semaphore(%arg10 : memref<!tpu.dma_semaphore, #tpu.memory_space<semaphore_mem>>)
    %scan3A = arith.constant 0 : i32
    %scan3A_24 = arith.constant 0 : i32
    %scan3A_25 = arith.constant 19 : i32
    %scan3A_26 = arith.addi %scan3A_24, %scan3A_25 : i32
    %scan3A_27 = arith.constant 1 : i32
    scf.for %scan3A_99 = %scan3A_24 to %scan3A_26 step %scan3A_27  : i32 {
      %mul3A_100 = arith.constant 2 : i32
      %mul3A_101 = arith.muli %mul3A_100, %scan3A_99 : i32
      %add3A_102 = arith.constant 1 : i32
      %add3A_103 = arith.addi %mul3A_101, %add3A_102 : i32
      %dma_start3A_104 = arith.constant 0 : i32
      %dma_start3A_105 = tpu.memref_slice %arg6[%add3A_103, %dma_start3A_104] : memref<40x128xi32, #tpu.memory_space<vmem>> -> memref<1x128xi32, #tpu.memory_space<vmem>>
      %dma_start3A_106 = tpu.memref_squeeze %dma_start3A_105 : memref<1x128xi32, #tpu.memory_space<vmem>> -> memref<128xi32, #tpu.memory_space<vmem>>
      %dma_start3A_107 = arith.constant 0 : i32
      %dma_start3A_108 = arith.constant 0 : i32
      %dma_start3A_109 = tpu.memref_slice %arg2[%dma_start3A_107, %dma_start3A_108] : memref<10240x128xf32, #tpu.memory_space<hbm>> -> memref<10240x128xf32, #tpu.memory_space<hbm>>
      tpu.enqueue_indirect_dma source(%dma_start3A_109 : memref<10240x128xf32, #tpu.memory_space<hbm>>) target(%arg9 : memref<128x128xf32, #tpu.memory_space<vmem>>) offsets(%dma_start3A_106 : memref<128xi32, #tpu.memory_space<vmem>>) semaphore(%arg11 : memref<!tpu.dma_semaphore, #tpu.memory_space<semaphore_mem>>)
      %dma_wait3A_110 = arith.constant 0 : i32
      %dma_wait3A_111 = tpu.memref_slice %arg6[%mul3A_101, %dma_wait3A_110] : memref<40x128xi32, #tpu.memory_space<vmem>> -> memref<1x128xi32, #tpu.memory_space<vmem>>
      %dma_wait3A_112 = tpu.memref_squeeze %dma_wait3A_111 : memref<1x128xi32, #tpu.memory_space<vmem>> -> memref<128xi32, #tpu.memory_space<vmem>>
      %dma_wait3A_113 = arith.constant 0 : i32
      %dma_wait3A_114 = arith.constant 0 : i32
      %dma_wait3A_115 = tpu.memref_slice %arg2[%dma_wait3A_113, %dma_wait3A_114] : memref<10240x128xf32, #tpu.memory_space<hbm>> -> memref<10240x128xf32, #tpu.memory_space<hbm>>
      tpu.wait_indirect_dma semaphore(%arg10 : memref<!tpu.dma_semaphore, #tpu.memory_space<semaphore_mem>>) src(%dma_wait3A_115 : memref<10240x128xf32, #tpu.memory_space<hbm>>) dst(%arg8 : memref<128x128xf32, #tpu.memory_space<vmem>>)
      "tpu.region"() ({
        %run_scoped3A_134 = tpu.sem_alloc : memref<!tpu.dma_semaphore, #tpu.memory_space<semaphore_mem>>
        %dma_start3A_135 = arith.constant 0 : i32
        %dma_start3A_136 = tpu.memref_slice %arg7[%mul3A_101, %dma_start3A_135] : memref<40x128xi32, #tpu.memory_space<vmem>> -> memref<1x128xi32, #tpu.memory_space<vmem>>
        %dma_start3A_137 = tpu.memref_squeeze %dma_start3A_136 : memref<1x128xi32, #tpu.memory_space<vmem>> -> memref<128xi32, #tpu.memory_space<vmem>>
        %dma_start3A_138 = arith.constant 0 : i32
        %dma_start3A_139 = arith.constant 0 : i32
        %dma_start3A_140 = tpu.memref_slice %arg13[%dma_start3A_138, %dma_start3A_139] : memref<10240x128xf32, #tpu.memory_space<vmem_shared>> -> memref<10240x128xf32, #tpu.memory_space<vmem_shared>>
        tpu.enqueue_indirect_dma source(%arg8 : memref<128x128xf32, #tpu.memory_space<vmem>>) target(%dma_start3A_140 : memref<10240x128xf32, #tpu.memory_space<vmem_shared>>) offsets(%dma_start3A_137 : memref<128xi32, #tpu.memory_space<vmem>>) semaphore(%run_scoped3A_134 : memref<!tpu.dma_semaphore, #tpu.memory_space<semaphore_mem>>) {add = true}
        %dma_wait3A_141 = arith.constant 0 : i32
        %dma_wait3A_142 = tpu.memref_slice %arg7[%mul3A_101, %dma_wait3A_141] : memref<40x128xi32, #tpu.memory_space<vmem>> -> memref<1x128xi32, #tpu.memory_space<vmem>>
        %dma_wait3A_143 = tpu.memref_squeeze %dma_wait3A_142 : memref<1x128xi32, #tpu.memory_space<vmem>> -> memref<128xi32, #tpu.memory_space<vmem>>
        %dma_wait3A_144 = arith.constant 0 : i32
        %dma_wait3A_145 = arith.constant 0 : i32
        %dma_wait3A_146 = tpu.memref_slice %arg13[%dma_wait3A_144, %dma_wait3A_145] : memref<10240x128xf32, #tpu.memory_space<vmem_shared>> -> memref<10240x128xf32, #tpu.memory_space<vmem_shared>>
        tpu.wait_indirect_dma semaphore(%run_scoped3A_134 : memref<!tpu.dma_semaphore, #tpu.memory_space<semaphore_mem>>) src(%arg8 : memref<128x128xf32, #tpu.memory_space<vmem>>) dst(%dma_wait3A_146 : memref<10240x128xf32, #tpu.memory_space<vmem_shared>>)
        tpu.yield
      }) : () -> ()
      %add3A_116 = arith.constant 2 : i32
      %add3A_117 = arith.addi %mul3A_101, %add3A_116 : i32
      %dma_start3A_118 = arith.constant 0 : i32
      %dma_start3A_119 = tpu.memref_slice %arg6[%add3A_117, %dma_start3A_118] : memref<40x128xi32, #tpu.memory_space<vmem>> -> memref<1x128xi32, #tpu.memory_space<vmem>>
      %dma_start3A_120 = tpu.memref_squeeze %dma_start3A_119 : memref<1x128xi32, #tpu.memory_space<vmem>> -> memref<128xi32, #tpu.memory_space<vmem>>
      %dma_start3A_121 = arith.constant 0 : i32
      %dma_start3A_122 = arith.constant 0 : i32
      %dma_start3A_123 = tpu.memref_slice %arg2[%dma_start3A_121, %dma_start3A_122] : memref<10240x128xf32, #tpu.memory_space<hbm>> -> memref<10240x128xf32, #tpu.memory_space<hbm>>
      tpu.enqueue_indirect_dma source(%dma_start3A_123 : memref<10240x128xf32, #tpu.memory_space<hbm>>) target(%arg8 : memref<128x128xf32, #tpu.memory_space<vmem>>) offsets(%dma_start3A_120 : memref<128xi32, #tpu.memory_space<vmem>>) semaphore(%arg10 : memref<!tpu.dma_semaphore, #tpu.memory_space<semaphore_mem>>)
      %add3A_124 = arith.constant 1 : i32
      %add3A_125 = arith.addi %mul3A_101, %add3A_124 : i32
      %dma_wait3A_126 = arith.constant 0 : i32
      %dma_wait3A_127 = tpu.memref_slice %arg6[%add3A_125, %dma_wait3A_126] : memref<40x128xi32, #tpu.memory_space<vmem>> -> memref<1x128xi32, #tpu.memory_space<vmem>>
      %dma_wait3A_128 = tpu.memref_squeeze %dma_wait3A_127 : memref<1x128xi32, #tpu.memory_space<vmem>> -> memref<128xi32, #tpu.memory_space<vmem>>
      %dma_wait3A_129 = arith.constant 0 : i32
      %dma_wait3A_130 = arith.constant 0 : i32
      %dma_wait3A_131 = tpu.memref_slice %arg2[%dma_wait3A_129, %dma_wait3A_130] : memref<10240x128xf32, #tpu.memory_space<hbm>> -> memref<10240x128xf32, #tpu.memory_space<hbm>>
      tpu.wait_indirect_dma semaphore(%arg11 : memref<!tpu.dma_semaphore, #tpu.memory_space<semaphore_mem>>) src(%dma_wait3A_131 : memref<10240x128xf32, #tpu.memory_space<hbm>>) dst(%arg9 : memref<128x128xf32, #tpu.memory_space<vmem>>)
      %add3A_132 = arith.constant 1 : i32
      %add3A_133 = arith.addi %mul3A_101, %add3A_132 : i32
      "tpu.region"() ({
        %run_scoped3A_134 = tpu.sem_alloc : memref<!tpu.dma_semaphore, #tpu.memory_space<semaphore_mem>>
        %dma_start3A_135 = arith.constant 0 : i32
        %dma_start3A_136 = tpu.memref_slice %arg7[%add3A_133, %dma_start3A_135] : memref<40x128xi32, #tpu.memory_space<vmem>> -> memref<1x128xi32, #tpu.memory_space<vmem>>
        %dma_start3A_137 = tpu.memref_squeeze %dma_start3A_136 : memref<1x128xi32, #tpu.memory_space<vmem>> -> memref<128xi32, #tpu.memory_space<vmem>>
        %dma_start3A_138 = arith.constant 0 : i32
        %dma_start3A_139 = arith.constant 0 : i32
        %dma_start3A_140 = tpu.memref_slice %arg13[%dma_start3A_138, %dma_start3A_139] : memref<10240x128xf32, #tpu.memory_space<vmem_shared>> -> memref<10240x128xf32, #tpu.memory_space<vmem_shared>>
        tpu.enqueue_indirect_dma source(%arg9 : memref<128x128xf32, #tpu.memory_space<vmem>>) target(%dma_start3A_140 : memref<10240x128xf32, #tpu.memory_space<vmem_shared>>) offsets(%dma_start3A_137 : memref<128xi32, #tpu.memory_space<vmem>>) semaphore(%run_scoped3A_134 : memref<!tpu.dma_semaphore, #tpu.memory_space<semaphore_mem>>) {add = true}
        %dma_wait3A_141 = arith.constant 0 : i32
        %dma_wait3A_142 = tpu.memref_slice %arg7[%add3A_133, %dma_wait3A_141] : memref<40x128xi32, #tpu.memory_space<vmem>> -> memref<1x128xi32, #tpu.memory_space<vmem>>
        %dma_wait3A_143 = tpu.memref_squeeze %dma_wait3A_142 : memref<1x128xi32, #tpu.memory_space<vmem>> -> memref<128xi32, #tpu.memory_space<vmem>>
        %dma_wait3A_144 = arith.constant 0 : i32
        %dma_wait3A_145 = arith.constant 0 : i32
        %dma_wait3A_146 = tpu.memref_slice %arg13[%dma_wait3A_144, %dma_wait3A_145] : memref<10240x128xf32, #tpu.memory_space<vmem_shared>> -> memref<10240x128xf32, #tpu.memory_space<vmem_shared>>
        tpu.wait_indirect_dma semaphore(%run_scoped3A_134 : memref<!tpu.dma_semaphore, #tpu.memory_space<semaphore_mem>>) src(%arg9 : memref<128x128xf32, #tpu.memory_space<vmem>>) dst(%dma_wait3A_146 : memref<10240x128xf32, #tpu.memory_space<vmem_shared>>)
        tpu.yield
      }) : () -> ()
    }
    %scan3A_28 = arith.constant 19 : i32
    %dma_start3A_29 = arith.constant 39 : i32
    %dma_start3A_30 = arith.constant 0 : i32
    %dma_start3A_31 = tpu.memref_slice %arg6[%dma_start3A_29, %dma_start3A_30] : memref<40x128xi32, #tpu.memory_space<vmem>> -> memref<1x128xi32, #tpu.memory_space<vmem>>
    %dma_start3A_32 = tpu.memref_squeeze %dma_start3A_31 : memref<1x128xi32, #tpu.memory_space<vmem>> -> memref<128xi32, #tpu.memory_space<vmem>>
    %dma_start3A_33 = arith.constant 0 : i32
    %dma_start3A_34 = arith.constant 0 : i32
    %dma_start3A_35 = tpu.memref_slice %arg2[%dma_start3A_33, %dma_start3A_34] : memref<10240x128xf32, #tpu.memory_space<hbm>> -> memref<10240x128xf32, #tpu.memory_space<hbm>>
    tpu.enqueue_indirect_dma source(%dma_start3A_35 : memref<10240x128xf32, #tpu.memory_space<hbm>>) target(%arg9 : memref<128x128xf32, #tpu.memory_space<vmem>>) offsets(%dma_start3A_32 : memref<128xi32, #tpu.memory_space<vmem>>) semaphore(%arg11 : memref<!tpu.dma_semaphore, #tpu.memory_space<semaphore_mem>>)
    %dma_wait3A_36 = arith.constant 38 : i32
    %dma_wait3A_37 = arith.constant 0 : i32
    %dma_wait3A_38 = tpu.memref_slice %arg6[%dma_wait3A_36, %dma_wait3A_37] : memref<40x128xi32, #tpu.memory_space<vmem>> -> memref<1x128xi32, #tpu.memory_space<vmem>>
    %dma_wait3A_39 = tpu.memref_squeeze %dma_wait3A_38 : memref<1x128xi32, #tpu.memory_space<vmem>> -> memref<128xi32, #tpu.memory_space<vmem>>
    %dma_wait3A_40 = arith.constant 0 : i32
    %dma_wait3A_41 = arith.constant 0 : i32
    %dma_wait3A_42 = tpu.memref_slice %arg2[%dma_wait3A_40, %dma_wait3A_41] : memref<10240x128xf32, #tpu.memory_space<hbm>> -> memref<10240x128xf32, #tpu.memory_space<hbm>>
    tpu.wait_indirect_dma semaphore(%arg10 : memref<!tpu.dma_semaphore, #tpu.memory_space<semaphore_mem>>) src(%dma_wait3A_42 : memref<10240x128xf32, #tpu.memory_space<hbm>>) dst(%arg8 : memref<128x128xf32, #tpu.memory_space<vmem>>)
    %run_scoped3A = arith.constant 38 : i32
    "tpu.region"() ({
      %run_scoped3A_99 = tpu.sem_alloc : memref<!tpu.dma_semaphore, #tpu.memory_space<semaphore_mem>>
      %dma_start3A_100 = arith.constant 0 : i32
      %dma_start3A_101 = tpu.memref_slice %arg7[%run_scoped3A, %dma_start3A_100] : memref<40x128xi32, #tpu.memory_space<vmem>> -> memref<1x128xi32, #tpu.memory_space<vmem>>
      %dma_start3A_102 = tpu.memref_squeeze %dma_start3A_101 : memref<1x128xi32, #tpu.memory_space<vmem>> -> memref<128xi32, #tpu.memory_space<vmem>>
      %dma_start3A_103 = arith.constant 0 : i32
      %dma_start3A_104 = arith.constant 0 : i32
      %dma_start3A_105 = tpu.memref_slice %arg13[%dma_start3A_103, %dma_start3A_104] : memref<10240x128xf32, #tpu.memory_space<vmem_shared>> -> memref<10240x128xf32, #tpu.memory_space<vmem_shared>>
      tpu.enqueue_indirect_dma source(%arg8 : memref<128x128xf32, #tpu.memory_space<vmem>>) target(%dma_start3A_105 : memref<10240x128xf32, #tpu.memory_space<vmem_shared>>) offsets(%dma_start3A_102 : memref<128xi32, #tpu.memory_space<vmem>>) semaphore(%run_scoped3A_99 : memref<!tpu.dma_semaphore, #tpu.memory_space<semaphore_mem>>) {add = true}
      %dma_wait3A_106 = arith.constant 0 : i32
      %dma_wait3A_107 = tpu.memref_slice %arg7[%run_scoped3A, %dma_wait3A_106] : memref<40x128xi32, #tpu.memory_space<vmem>> -> memref<1x128xi32, #tpu.memory_space<vmem>>
      %dma_wait3A_108 = tpu.memref_squeeze %dma_wait3A_107 : memref<1x128xi32, #tpu.memory_space<vmem>> -> memref<128xi32, #tpu.memory_space<vmem>>
      %dma_wait3A_109 = arith.constant 0 : i32
      %dma_wait3A_110 = arith.constant 0 : i32
      %dma_wait3A_111 = tpu.memref_slice %arg13[%dma_wait3A_109, %dma_wait3A_110] : memref<10240x128xf32, #tpu.memory_space<vmem_shared>> -> memref<10240x128xf32, #tpu.memory_space<vmem_shared>>
      tpu.wait_indirect_dma semaphore(%run_scoped3A_99 : memref<!tpu.dma_semaphore, #tpu.memory_space<semaphore_mem>>) src(%arg8 : memref<128x128xf32, #tpu.memory_space<vmem>>) dst(%dma_wait3A_111 : memref<10240x128xf32, #tpu.memory_space<vmem_shared>>)
      tpu.yield
    }) : () -> ()
    %dma_wait3A_43 = arith.constant 39 : i32
    %dma_wait3A_44 = arith.constant 0 : i32
    %dma_wait3A_45 = tpu.memref_slice %arg6[%dma_wait3A_43, %dma_wait3A_44] : memref<40x128xi32, #tpu.memory_space<vmem>> -> memref<1x128xi32, #tpu.memory_space<vmem>>
    %dma_wait3A_46 = tpu.memref_squeeze %dma_wait3A_45 : memref<1x128xi32, #tpu.memory_space<vmem>> -> memref<128xi32, #tpu.memory_space<vmem>>
    %dma_wait3A_47 = arith.constant 0 : i32
    %dma_wait3A_48 = arith.constant 0 : i32
    %dma_wait3A_49 = tpu.memref_slice %arg2[%dma_wait3A_47, %dma_wait3A_48] : memref<10240x128xf32, #tpu.memory_space<hbm>> -> memref<10240x128xf32, #tpu.memory_space<hbm>>
    tpu.wait_indirect_dma semaphore(%arg11 : memref<!tpu.dma_semaphore, #tpu.memory_space<semaphore_mem>>) src(%dma_wait3A_49 : memref<10240x128xf32, #tpu.memory_space<hbm>>) dst(%arg9 : memref<128x128xf32, #tpu.memory_space<vmem>>)
    %run_scoped3A_50 = arith.constant 39 : i32
    "tpu.region"() ({
      %run_scoped3A_99 = tpu.sem_alloc : memref<!tpu.dma_semaphore, #tpu.memory_space<semaphore_mem>>
      %dma_start3A_100 = arith.constant 0 : i32
      %dma_start3A_101 = tpu.memref_slice %arg7[%run_scoped3A_50, %dma_start3A_100] : memref<40x128xi32, #tpu.memory_space<vmem>> -> memref<1x128xi32, #tpu.memory_space<vmem>>
      %dma_start3A_102 = tpu.memref_squeeze %dma_start3A_101 : memref<1x128xi32, #tpu.memory_space<vmem>> -> memref<128xi32, #tpu.memory_space<vmem>>
      %dma_start3A_103 = arith.constant 0 : i32
      %dma_start3A_104 = arith.constant 0 : i32
      %dma_start3A_105 = tpu.memref_slice %arg13[%dma_start3A_103, %dma_start3A_104] : memref<10240x128xf32, #tpu.memory_space<vmem_shared>> -> memref<10240x128xf32, #tpu.memory_space<vmem_shared>>
      tpu.enqueue_indirect_dma source(%arg9 : memref<128x128xf32, #tpu.memory_space<vmem>>) target(%dma_start3A_105 : memref<10240x128xf32, #tpu.memory_space<vmem_shared>>) offsets(%dma_start3A_102 : memref<128xi32, #tpu.memory_space<vmem>>) semaphore(%run_scoped3A_99 : memref<!tpu.dma_semaphore, #tpu.memory_space<semaphore_mem>>) {add = true}
      %dma_wait3A_106 = arith.constant 0 : i32
      %dma_wait3A_107 = tpu.memref_slice %arg7[%run_scoped3A_50, %dma_wait3A_106] : memref<40x128xi32, #tpu.memory_space<vmem>> -> memref<1x128xi32, #tpu.memory_space<vmem>>
      %dma_wait3A_108 = tpu.memref_squeeze %dma_wait3A_107 : memref<1x128xi32, #tpu.memory_space<vmem>> -> memref<128xi32, #tpu.memory_space<vmem>>
      %dma_wait3A_109 = arith.constant 0 : i32
      %dma_wait3A_110 = arith.constant 0 : i32
      %dma_wait3A_111 = tpu.memref_slice %arg13[%dma_wait3A_109, %dma_wait3A_110] : memref<10240x128xf32, #tpu.memory_space<vmem_shared>> -> memref<10240x128xf32, #tpu.memory_space<vmem_shared>>
      tpu.wait_indirect_dma semaphore(%run_scoped3A_99 : memref<!tpu.dma_semaphore, #tpu.memory_space<semaphore_mem>>) src(%arg9 : memref<128x128xf32, #tpu.memory_space<vmem>>) dst(%dma_wait3A_111 : memref<10240x128xf32, #tpu.memory_space<vmem_shared>>)
      tpu.yield
    }) : () -> ()
    %mul3A_51 = arith.constant 80 : i32
    %mul3A_52 = arith.muli %add3A, %mul3A_51 : i32
    %add3A_53 = arith.constant 40 : i32
    %add3A_54 = arith.addi %mul3A_52, %add3A_53 : i32
    "tpu.region"() ({
      %run_scoped3A_99 = tpu.sem_alloc : memref<!tpu.dma_semaphore, #tpu.memory_space<semaphore_mem>>
      %dma_start3A_100 = arith.constant 0 : i32
      %dma_start3A_101 = tpu.memref_slice %arg3[%add3A_54, %dma_start3A_100] : memref<2560x128xi32, #tpu.memory_space<hbm>> -> memref<40x128xi32, #tpu.memory_space<hbm>>
      %dma_start3A_102 = arith.constant 0 : i32
      %dma_start3A_103 = tpu.memref_slice %arg3[%add3A_54, %dma_start3A_102] : memref<2560x128xi32, #tpu.memory_space<hbm>> -> memref<40x128xi32, #tpu.memory_space<hbm>>
      tpu.enqueue_dma source(%dma_start3A_103 : memref<40x128xi32, #tpu.memory_space<hbm>>) target(%arg6 : memref<40x128xi32, #tpu.memory_space<vmem>>) target_semaphore(%run_scoped3A_99 : memref<!tpu.dma_semaphore, #tpu.memory_space<semaphore_mem>>)
      %dma_wait3A_104 = arith.constant 0 : i32
      %dma_wait3A_105 = tpu.memref_slice %arg3[%add3A_54, %dma_wait3A_104] : memref<2560x128xi32, #tpu.memory_space<hbm>> -> memref<40x128xi32, #tpu.memory_space<hbm>>
      %dma_wait3A_106 = arith.constant 0 : i32
      %dma_wait3A_107 = tpu.memref_slice %arg3[%add3A_54, %dma_wait3A_106] : memref<2560x128xi32, #tpu.memory_space<hbm>> -> memref<40x128xi32, #tpu.memory_space<hbm>>
      tpu.wait_dma2 semaphore(%run_scoped3A_99 : memref<!tpu.dma_semaphore, #tpu.memory_space<semaphore_mem>>) src(%dma_wait3A_107 : memref<40x128xi32, #tpu.memory_space<hbm>>) dst(%arg6 : memref<40x128xi32, #tpu.memory_space<vmem>>)
      tpu.yield
    }) : () -> ()
    %mul3A_55 = arith.constant 80 : i32
    %mul3A_56 = arith.muli %add3A, %mul3A_55 : i32
    %add3A_57 = arith.constant 40 : i32
    %add3A_58 = arith.addi %mul3A_56, %add3A_57 : i32
    "tpu.region"() ({
      %run_scoped3A_99 = tpu.sem_alloc : memref<!tpu.dma_semaphore, #tpu.memory_space<semaphore_mem>>
      %dma_start3A_100 = arith.constant 0 : i32
      %dma_start3A_101 = tpu.memref_slice %arg4[%add3A_58, %dma_start3A_100] : memref<2560x128xi32, #tpu.memory_space<hbm>> -> memref<40x128xi32, #tpu.memory_space<hbm>>
      %dma_start3A_102 = arith.constant 0 : i32
      %dma_start3A_103 = tpu.memref_slice %arg4[%add3A_58, %dma_start3A_102] : memref<2560x128xi32, #tpu.memory_space<hbm>> -> memref<40x128xi32, #tpu.memory_space<hbm>>
      tpu.enqueue_dma source(%dma_start3A_103 : memref<40x128xi32, #tpu.memory_space<hbm>>) target(%arg7 : memref<40x128xi32, #tpu.memory_space<vmem>>) target_semaphore(%run_scoped3A_99 : memref<!tpu.dma_semaphore, #tpu.memory_space<semaphore_mem>>)
      %dma_wait3A_104 = arith.constant 0 : i32
      %dma_wait3A_105 = tpu.memref_slice %arg4[%add3A_58, %dma_wait3A_104] : memref<2560x128xi32, #tpu.memory_space<hbm>> -> memref<40x128xi32, #tpu.memory_space<hbm>>
      %dma_wait3A_106 = arith.constant 0 : i32
      %dma_wait3A_107 = tpu.memref_slice %arg4[%add3A_58, %dma_wait3A_106] : memref<2560x128xi32, #tpu.memory_space<hbm>> -> memref<40x128xi32, #tpu.memory_space<hbm>>
      tpu.wait_dma2 semaphore(%run_scoped3A_99 : memref<!tpu.dma_semaphore, #tpu.memory_space<semaphore_mem>>) src(%dma_wait3A_107 : memref<40x128xi32, #tpu.memory_space<hbm>>) dst(%arg7 : memref<40x128xi32, #tpu.memory_space<vmem>>)
      tpu.yield
    }) : () -> ()
    %dma_start3A_59 = arith.constant 0 : i32
    %dma_start3A_60 = arith.constant 0 : i32
    %dma_start3A_61 = tpu.memref_slice %arg6[%dma_start3A_59, %dma_start3A_60] : memref<40x128xi32, #tpu.memory_space<vmem>> -> memref<1x128xi32, #tpu.memory_space<vmem>>
    %dma_start3A_62 = tpu.memref_squeeze %dma_start3A_61 : memref<1x128xi32, #tpu.memory_space<vmem>> -> memref<128xi32, #tpu.memory_space<vmem>>
    %dma_start3A_63 = arith.constant 0 : i32
    %dma_start3A_64 = arith.constant 0 : i32
    %dma_start3A_65 = tpu.memref_slice %arg2[%dma_start3A_63, %dma_start3A_64] : memref<10240x128xf32, #tpu.memory_space<hbm>> -> memref<10240x128xf32, #tpu.memory_space<hbm>>
    tpu.enqueue_indirect_dma source(%dma_start3A_65 : memref<10240x128xf32, #tpu.memory_space<hbm>>) target(%arg8 : memref<128x128xf32, #tpu.memory_space<vmem>>) offsets(%dma_start3A_62 : memref<128xi32, #tpu.memory_space<vmem>>) semaphore(%arg10 : memref<!tpu.dma_semaphore, #tpu.memory_space<semaphore_mem>>)
    %scan3A_66 = arith.constant 0 : i32
    %scan3A_67 = arith.constant 0 : i32
    %scan3A_68 = arith.constant 19 : i32
    %scan3A_69 = arith.addi %scan3A_67, %scan3A_68 : i32
    %scan3A_70 = arith.constant 1 : i32
    scf.for %scan3A_99 = %scan3A_67 to %scan3A_69 step %scan3A_70  : i32 {
      %mul3A_100 = arith.constant 2 : i32
      %mul3A_101 = arith.muli %mul3A_100, %scan3A_99 : i32
      %add3A_102 = arith.constant 1 : i32
      %add3A_103 = arith.addi %mul3A_101, %add3A_102 : i32
      %dma_start3A_104 = arith.constant 0 : i32
      %dma_start3A_105 = tpu.memref_slice %arg6[%add3A_103, %dma_start3A_104] : memref<40x128xi32, #tpu.memory_space<vmem>> -> memref<1x128xi32, #tpu.memory_space<vmem>>
      %dma_start3A_106 = tpu.memref_squeeze %dma_start3A_105 : memref<1x128xi32, #tpu.memory_space<vmem>> -> memref<128xi32, #tpu.memory_space<vmem>>
      %dma_start3A_107 = arith.constant 0 : i32
      %dma_start3A_108 = arith.constant 0 : i32
      %dma_start3A_109 = tpu.memref_slice %arg2[%dma_start3A_107, %dma_start3A_108] : memref<10240x128xf32, #tpu.memory_space<hbm>> -> memref<10240x128xf32, #tpu.memory_space<hbm>>
      tpu.enqueue_indirect_dma source(%dma_start3A_109 : memref<10240x128xf32, #tpu.memory_space<hbm>>) target(%arg9 : memref<128x128xf32, #tpu.memory_space<vmem>>) offsets(%dma_start3A_106 : memref<128xi32, #tpu.memory_space<vmem>>) semaphore(%arg11 : memref<!tpu.dma_semaphore, #tpu.memory_space<semaphore_mem>>)
      %dma_wait3A_110 = arith.constant 0 : i32
      %dma_wait3A_111 = tpu.memref_slice %arg6[%mul3A_101, %dma_wait3A_110] : memref<40x128xi32, #tpu.memory_space<vmem>> -> memref<1x128xi32, #tpu.memory_space<vmem>>
      %dma_wait3A_112 = tpu.memref_squeeze %dma_wait3A_111 : memref<1x128xi32, #tpu.memory_space<vmem>> -> memref<128xi32, #tpu.memory_space<vmem>>
      %dma_wait3A_113 = arith.constant 0 : i32
      %dma_wait3A_114 = arith.constant 0 : i32
      %dma_wait3A_115 = tpu.memref_slice %arg2[%dma_wait3A_113, %dma_wait3A_114] : memref<10240x128xf32, #tpu.memory_space<hbm>> -> memref<10240x128xf32, #tpu.memory_space<hbm>>
      tpu.wait_indirect_dma semaphore(%arg10 : memref<!tpu.dma_semaphore, #tpu.memory_space<semaphore_mem>>) src(%dma_wait3A_115 : memref<10240x128xf32, #tpu.memory_space<hbm>>) dst(%arg8 : memref<128x128xf32, #tpu.memory_space<vmem>>)
      "tpu.region"() ({
        %run_scoped3A_134 = tpu.sem_alloc : memref<!tpu.dma_semaphore, #tpu.memory_space<semaphore_mem>>
        %dma_start3A_135 = arith.constant 0 : i32
        %dma_start3A_136 = tpu.memref_slice %arg7[%mul3A_101, %dma_start3A_135] : memref<40x128xi32, #tpu.memory_space<vmem>> -> memref<1x128xi32, #tpu.memory_space<vmem>>
        %dma_start3A_137 = tpu.memref_squeeze %dma_start3A_136 : memref<1x128xi32, #tpu.memory_space<vmem>> -> memref<128xi32, #tpu.memory_space<vmem>>
        %dma_start3A_138 = arith.constant 0 : i32
        %dma_start3A_139 = arith.constant 0 : i32
        %dma_start3A_140 = tpu.memref_slice %arg13[%dma_start3A_138, %dma_start3A_139] : memref<10240x128xf32, #tpu.memory_space<vmem_shared>> -> memref<10240x128xf32, #tpu.memory_space<vmem_shared>>
        tpu.enqueue_indirect_dma source(%arg8 : memref<128x128xf32, #tpu.memory_space<vmem>>) target(%dma_start3A_140 : memref<10240x128xf32, #tpu.memory_space<vmem_shared>>) offsets(%dma_start3A_137 : memref<128xi32, #tpu.memory_space<vmem>>) semaphore(%run_scoped3A_134 : memref<!tpu.dma_semaphore, #tpu.memory_space<semaphore_mem>>) {add = true}
        %dma_wait3A_141 = arith.constant 0 : i32
        %dma_wait3A_142 = tpu.memref_slice %arg7[%mul3A_101, %dma_wait3A_141] : memref<40x128xi32, #tpu.memory_space<vmem>> -> memref<1x128xi32, #tpu.memory_space<vmem>>
        %dma_wait3A_143 = tpu.memref_squeeze %dma_wait3A_142 : memref<1x128xi32, #tpu.memory_space<vmem>> -> memref<128xi32, #tpu.memory_space<vmem>>
        %dma_wait3A_144 = arith.constant 0 : i32
        %dma_wait3A_145 = arith.constant 0 : i32
        %dma_wait3A_146 = tpu.memref_slice %arg13[%dma_wait3A_144, %dma_wait3A_145] : memref<10240x128xf32, #tpu.memory_space<vmem_shared>> -> memref<10240x128xf32, #tpu.memory_space<vmem_shared>>
        tpu.wait_indirect_dma semaphore(%run_scoped3A_134 : memref<!tpu.dma_semaphore, #tpu.memory_space<semaphore_mem>>) src(%arg8 : memref<128x128xf32, #tpu.memory_space<vmem>>) dst(%dma_wait3A_146 : memref<10240x128xf32, #tpu.memory_space<vmem_shared>>)
        tpu.yield
      }) : () -> ()
      %add3A_116 = arith.constant 2 : i32
      %add3A_117 = arith.addi %mul3A_101, %add3A_116 : i32
      %dma_start3A_118 = arith.constant 0 : i32
      %dma_start3A_119 = tpu.memref_slice %arg6[%add3A_117, %dma_start3A_118] : memref<40x128xi32, #tpu.memory_space<vmem>> -> memref<1x128xi32, #tpu.memory_space<vmem>>
      %dma_start3A_120 = tpu.memref_squeeze %dma_start3A_119 : memref<1x128xi32, #tpu.memory_space<vmem>> -> memref<128xi32, #tpu.memory_space<vmem>>
      %dma_start3A_121 = arith.constant 0 : i32
      %dma_start3A_122 = arith.constant 0 : i32
      %dma_start3A_123 = tpu.memref_slice %arg2[%dma_start3A_121, %dma_start3A_122] : memref<10240x128xf32, #tpu.memory_space<hbm>> -> memref<10240x128xf32, #tpu.memory_space<hbm>>
      tpu.enqueue_indirect_dma source(%dma_start3A_123 : memref<10240x128xf32, #tpu.memory_space<hbm>>) target(%arg8 : memref<128x128xf32, #tpu.memory_space<vmem>>) offsets(%dma_start3A_120 : memref<128xi32, #tpu.memory_space<vmem>>) semaphore(%arg10 : memref<!tpu.dma_semaphore, #tpu.memory_space<semaphore_mem>>)
      %add3A_124 = arith.constant 1 : i32
      %add3A_125 = arith.addi %mul3A_101, %add3A_124 : i32
      %dma_wait3A_126 = arith.constant 0 : i32
      %dma_wait3A_127 = tpu.memref_slice %arg6[%add3A_125, %dma_wait3A_126] : memref<40x128xi32, #tpu.memory_space<vmem>> -> memref<1x128xi32, #tpu.memory_space<vmem>>
      %dma_wait3A_128 = tpu.memref_squeeze %dma_wait3A_127 : memref<1x128xi32, #tpu.memory_space<vmem>> -> memref<128xi32, #tpu.memory_space<vmem>>
      %dma_wait3A_129 = arith.constant 0 : i32
      %dma_wait3A_130 = arith.constant 0 : i32
      %dma_wait3A_131 = tpu.memref_slice %arg2[%dma_wait3A_129, %dma_wait3A_130] : memref<10240x128xf32, #tpu.memory_space<hbm>> -> memref<10240x128xf32, #tpu.memory_space<hbm>>
      tpu.wait_indirect_dma semaphore(%arg11 : memref<!tpu.dma_semaphore, #tpu.memory_space<semaphore_mem>>) src(%dma_wait3A_131 : memref<10240x128xf32, #tpu.memory_space<hbm>>) dst(%arg9 : memref<128x128xf32, #tpu.memory_space<vmem>>)
      %add3A_132 = arith.constant 1 : i32
      %add3A_133 = arith.addi %mul3A_101, %add3A_132 : i32
      "tpu.region"() ({
        %run_scoped3A_134 = tpu.sem_alloc : memref<!tpu.dma_semaphore, #tpu.memory_space<semaphore_mem>>
        %dma_start3A_135 = arith.constant 0 : i32
        %dma_start3A_136 = tpu.memref_slice %arg7[%add3A_133, %dma_start3A_135] : memref<40x128xi32, #tpu.memory_space<vmem>> -> memref<1x128xi32, #tpu.memory_space<vmem>>
        %dma_start3A_137 = tpu.memref_squeeze %dma_start3A_136 : memref<1x128xi32, #tpu.memory_space<vmem>> -> memref<128xi32, #tpu.memory_space<vmem>>
        %dma_start3A_138 = arith.constant 0 : i32
        %dma_start3A_139 = arith.constant 0 : i32
        %dma_start3A_140 = tpu.memref_slice %arg13[%dma_start3A_138, %dma_start3A_139] : memref<10240x128xf32, #tpu.memory_space<vmem_shared>> -> memref<10240x128xf32, #tpu.memory_space<vmem_shared>>
        tpu.enqueue_indirect_dma source(%arg9 : memref<128x128xf32, #tpu.memory_space<vmem>>) target(%dma_start3A_140 : memref<10240x128xf32, #tpu.memory_space<vmem_shared>>) offsets(%dma_start3A_137 : memref<128xi32, #tpu.memory_space<vmem>>) semaphore(%run_scoped3A_134 : memref<!tpu.dma_semaphore, #tpu.memory_space<semaphore_mem>>) {add = true}
        %dma_wait3A_141 = arith.constant 0 : i32
        %dma_wait3A_142 = tpu.memref_slice %arg7[%add3A_133, %dma_wait3A_141] : memref<40x128xi32, #tpu.memory_space<vmem>> -> memref<1x128xi32, #tpu.memory_space<vmem>>
        %dma_wait3A_143 = tpu.memref_squeeze %dma_wait3A_142 : memref<1x128xi32, #tpu.memory_space<vmem>> -> memref<128xi32, #tpu.memory_space<vmem>>
        %dma_wait3A_144 = arith.constant 0 : i32
        %dma_wait3A_145 = arith.constant 0 : i32
        %dma_wait3A_146 = tpu.memref_slice %arg13[%dma_wait3A_144, %dma_wait3A_145] : memref<10240x128xf32, #tpu.memory_space<vmem_shared>> -> memref<10240x128xf32, #tpu.memory_space<vmem_shared>>
        tpu.wait_indirect_dma semaphore(%run_scoped3A_134 : memref<!tpu.dma_semaphore, #tpu.memory_space<semaphore_mem>>) src(%arg9 : memref<128x128xf32, #tpu.memory_space<vmem>>) dst(%dma_wait3A_146 : memref<10240x128xf32, #tpu.memory_space<vmem_shared>>)
        tpu.yield
      }) : () -> ()
    }
    %scan3A_71 = arith.constant 19 : i32
    %dma_start3A_72 = arith.constant 39 : i32
    %dma_start3A_73 = arith.constant 0 : i32
    %dma_start3A_74 = tpu.memref_slice %arg6[%dma_start3A_72, %dma_start3A_73] : memref<40x128xi32, #tpu.memory_space<vmem>> -> memref<1x128xi32, #tpu.memory_space<vmem>>
    %dma_start3A_75 = tpu.memref_squeeze %dma_start3A_74 : memref<1x128xi32, #tpu.memory_space<vmem>> -> memref<128xi32, #tpu.memory_space<vmem>>
    %dma_start3A_76 = arith.constant 0 : i32
    %dma_start3A_77 = arith.constant 0 : i32
    %dma_start3A_78 = tpu.memref_slice %arg2[%dma_start3A_76, %dma_start3A_77] : memref<10240x128xf32, #tpu.memory_space<hbm>> -> memref<10240x128xf32, #tpu.memory_space<hbm>>
    tpu.enqueue_indirect_dma source(%dma_start3A_78 : memref<10240x128xf32, #tpu.memory_space<hbm>>) target(%arg9 : memref<128x128xf32, #tpu.memory_space<vmem>>) offsets(%dma_start3A_75 : memref<128xi32, #tpu.memory_space<vmem>>) semaphore(%arg11 : memref<!tpu.dma_semaphore, #tpu.memory_space<semaphore_mem>>)
    %dma_wait3A_79 = arith.constant 38 : i32
    %dma_wait3A_80 = arith.constant 0 : i32
    %dma_wait3A_81 = tpu.memref_slice %arg6[%dma_wait3A_79, %dma_wait3A_80] : memref<40x128xi32, #tpu.memory_space<vmem>> -> memref<1x128xi32, #tpu.memory_space<vmem>>
    %dma_wait3A_82 = tpu.memref_squeeze %dma_wait3A_81 : memref<1x128xi32, #tpu.memory_space<vmem>> -> memref<128xi32, #tpu.memory_space<vmem>>
    %dma_wait3A_83 = arith.constant 0 : i32
    %dma_wait3A_84 = arith.constant 0 : i32
    %dma_wait3A_85 = tpu.memref_slice %arg2[%dma_wait3A_83, %dma_wait3A_84] : memref<10240x128xf32, #tpu.memory_space<hbm>> -> memref<10240x128xf32, #tpu.memory_space<hbm>>
    tpu.wait_indirect_dma semaphore(%arg10 : memref<!tpu.dma_semaphore, #tpu.memory_space<semaphore_mem>>) src(%dma_wait3A_85 : memref<10240x128xf32, #tpu.memory_space<hbm>>) dst(%arg8 : memref<128x128xf32, #tpu.memory_space<vmem>>)
    %run_scoped3A_86 = arith.constant 38 : i32
    "tpu.region"() ({
      %run_scoped3A_99 = tpu.sem_alloc : memref<!tpu.dma_semaphore, #tpu.memory_space<semaphore_mem>>
      %dma_start3A_100 = arith.constant 0 : i32
      %dma_start3A_101 = tpu.memref_slice %arg7[%run_scoped3A_86, %dma_start3A_100] : memref<40x128xi32, #tpu.memory_space<vmem>> -> memref<1x128xi32, #tpu.memory_space<vmem>>
      %dma_start3A_102 = tpu.memref_squeeze %dma_start3A_101 : memref<1x128xi32, #tpu.memory_space<vmem>> -> memref<128xi32, #tpu.memory_space<vmem>>
      %dma_start3A_103 = arith.constant 0 : i32
      %dma_start3A_104 = arith.constant 0 : i32
      %dma_start3A_105 = tpu.memref_slice %arg13[%dma_start3A_103, %dma_start3A_104] : memref<10240x128xf32, #tpu.memory_space<vmem_shared>> -> memref<10240x128xf32, #tpu.memory_space<vmem_shared>>
      tpu.enqueue_indirect_dma source(%arg8 : memref<128x128xf32, #tpu.memory_space<vmem>>) target(%dma_start3A_105 : memref<10240x128xf32, #tpu.memory_space<vmem_shared>>) offsets(%dma_start3A_102 : memref<128xi32, #tpu.memory_space<vmem>>) semaphore(%run_scoped3A_99 : memref<!tpu.dma_semaphore, #tpu.memory_space<semaphore_mem>>) {add = true}
      %dma_wait3A_106 = arith.constant 0 : i32
      %dma_wait3A_107 = tpu.memref_slice %arg7[%run_scoped3A_86, %dma_wait3A_106] : memref<40x128xi32, #tpu.memory_space<vmem>> -> memref<1x128xi32, #tpu.memory_space<vmem>>
      %dma_wait3A_108 = tpu.memref_squeeze %dma_wait3A_107 : memref<1x128xi32, #tpu.memory_space<vmem>> -> memref<128xi32, #tpu.memory_space<vmem>>
      %dma_wait3A_109 = arith.constant 0 : i32
      %dma_wait3A_110 = arith.constant 0 : i32
      %dma_wait3A_111 = tpu.memref_slice %arg13[%dma_wait3A_109, %dma_wait3A_110] : memref<10240x128xf32, #tpu.memory_space<vmem_shared>> -> memref<10240x128xf32, #tpu.memory_space<vmem_shared>>
      tpu.wait_indirect_dma semaphore(%run_scoped3A_99 : memref<!tpu.dma_semaphore, #tpu.memory_space<semaphore_mem>>) src(%arg8 : memref<128x128xf32, #tpu.memory_space<vmem>>) dst(%dma_wait3A_111 : memref<10240x128xf32, #tpu.memory_space<vmem_shared>>)
      tpu.yield
    }) : () -> ()
    %dma_wait3A_87 = arith.constant 39 : i32
    %dma_wait3A_88 = arith.constant 0 : i32
    %dma_wait3A_89 = tpu.memref_slice %arg6[%dma_wait3A_87, %dma_wait3A_88] : memref<40x128xi32, #tpu.memory_space<vmem>> -> memref<1x128xi32, #tpu.memory_space<vmem>>
    %dma_wait3A_90 = tpu.memref_squeeze %dma_wait3A_89 : memref<1x128xi32, #tpu.memory_space<vmem>> -> memref<128xi32, #tpu.memory_space<vmem>>
    %dma_wait3A_91 = arith.constant 0 : i32
    %dma_wait3A_92 = arith.constant 0 : i32
    %dma_wait3A_93 = tpu.memref_slice %arg2[%dma_wait3A_91, %dma_wait3A_92] : memref<10240x128xf32, #tpu.memory_space<hbm>> -> memref<10240x128xf32, #tpu.memory_space<hbm>>
    tpu.wait_indirect_dma semaphore(%arg11 : memref<!tpu.dma_semaphore, #tpu.memory_space<semaphore_mem>>) src(%dma_wait3A_93 : memref<10240x128xf32, #tpu.memory_space<hbm>>) dst(%arg9 : memref<128x128xf32, #tpu.memory_space<vmem>>)
    %run_scoped3A_94 = arith.constant 39 : i32
    "tpu.region"() ({
      %run_scoped3A_99 = tpu.sem_alloc : memref<!tpu.dma_semaphore, #tpu.memory_space<semaphore_mem>>
      %dma_start3A_100 = arith.constant 0 : i32
      %dma_start3A_101 = tpu.memref_slice %arg7[%run_scoped3A_94, %dma_start3A_100] : memref<40x128xi32, #tpu.memory_space<vmem>> -> memref<1x128xi32, #tpu.memory_space<vmem>>
      %dma_start3A_102 = tpu.memref_squeeze %dma_start3A_101 : memref<1x128xi32, #tpu.memory_space<vmem>> -> memref<128xi32, #tpu.memory_space<vmem>>
      %dma_start3A_103 = arith.constant 0 : i32
      %dma_start3A_104 = arith.constant 0 : i32
      %dma_start3A_105 = tpu.memref_slice %arg13[%dma_start3A_103, %dma_start3A_104] : memref<10240x128xf32, #tpu.memory_space<vmem_shared>> -> memref<10240x128xf32, #tpu.memory_space<vmem_shared>>
      tpu.enqueue_indirect_dma source(%arg9 : memref<128x128xf32, #tpu.memory_space<vmem>>) target(%dma_start3A_105 : memref<10240x128xf32, #tpu.memory_space<vmem_shared>>) offsets(%dma_start3A_102 : memref<128xi32, #tpu.memory_space<vmem>>) semaphore(%run_scoped3A_99 : memref<!tpu.dma_semaphore, #tpu.memory_space<semaphore_mem>>) {add = true}
      %dma_wait3A_106 = arith.constant 0 : i32
      %dma_wait3A_107 = tpu.memref_slice %arg7[%run_scoped3A_94, %dma_wait3A_106] : memref<40x128xi32, #tpu.memory_space<vmem>> -> memref<1x128xi32, #tpu.memory_space<vmem>>
      %dma_wait3A_108 = tpu.memref_squeeze %dma_wait3A_107 : memref<1x128xi32, #tpu.memory_space<vmem>> -> memref<128xi32, #tpu.memory_space<vmem>>
      %dma_wait3A_109 = arith.constant 0 : i32
      %dma_wait3A_110 = arith.constant 0 : i32
      %dma_wait3A_111 = tpu.memref_slice %arg13[%dma_wait3A_109, %dma_wait3A_110] : memref<10240x128xf32, #tpu.memory_space<vmem_shared>> -> memref<10240x128xf32, #tpu.memory_space<vmem_shared>>
      tpu.wait_indirect_dma semaphore(%run_scoped3A_99 : memref<!tpu.dma_semaphore, #tpu.memory_space<semaphore_mem>>) src(%arg9 : memref<128x128xf32, #tpu.memory_space<vmem>>) dst(%dma_wait3A_111 : memref<10240x128xf32, #tpu.memory_space<vmem_shared>>)
      tpu.yield
    }) : () -> ()
    %barrier3A_95 = arith.constant 0 : index
    tpu.barrier barrier_id(%barrier3A_95)
    %mul3A_96 = arith.constant 10240 : i32
    %mul3A_97 = arith.muli %arg0, %mul3A_96 : i32
    %add3A_98 = arith.addi %mul3A_97, %mul3A_2 : i32
    "tpu.region"() ({
      %run_scoped3A_99 = tpu.sem_alloc : memref<!tpu.dma_semaphore, #tpu.memory_space<semaphore_mem>>
      %dma_start3A_100 = arith.constant 0 : i32
      %dma_start3A_101 = tpu.memref_slice %arg5[%add3A_98, %dma_start3A_100] : memref<20480x128xf32, #tpu.memory_space<hbm>> -> memref<640x128xf32, #tpu.memory_space<hbm>>
      %dma_start3A_102 = arith.constant 0 : i32
      %dma_start3A_103 = tpu.memref_slice %arg13[%mul3A_2, %dma_start3A_102] : memref<10240x128xf32, #tpu.memory_space<vmem_shared>> -> memref<640x128xf32, #tpu.memory_space<vmem_shared>>
      tpu.enqueue_dma source(%dma_start3A_103 : memref<640x128xf32, #tpu.memory_space<vmem_shared>>) target(%dma_start3A_101 : memref<640x128xf32, #tpu.memory_space<hbm>>) target_semaphore(%run_scoped3A_99 : memref<!tpu.dma_semaphore, #tpu.memory_space<semaphore_mem>>)
      %dma_wait3A_104 = arith.constant 0 : i32
      %dma_wait3A_105 = tpu.memref_slice %arg5[%add3A_98, %dma_wait3A_104] : memref<20480x128xf32, #tpu.memory_space<hbm>> -> memref<640x128xf32, #tpu.memory_space<hbm>>
      %dma_wait3A_106 = arith.constant 0 : i32
      %dma_wait3A_107 = tpu.memref_slice %arg13[%mul3A_2, %dma_wait3A_106] : memref<10240x128xf32, #tpu.memory_space<vmem_shared>> -> memref<640x128xf32, #tpu.memory_space<vmem_shared>>
      tpu.wait_dma2 semaphore(%run_scoped3A_99 : memref<!tpu.dma_semaphore, #tpu.memory_space<semaphore_mem>>) src(%dma_wait3A_107 : memref<640x128xf32, #tpu.memory_space<vmem_shared>>) dst(%dma_wait3A_105 : memref<640x128xf32, #tpu.memory_space<hbm>>)
      tpu.yield
    }) : () -> ()
    return
  }
}

module attributes {stable_mosaic.version = 14 : i64} {
  func.func @_pre_body(%arg0: i32, %arg1: memref<2x1024x1xf32, #tpu.memory_space<vmem>>, %arg2: memref<1024x128xf32, #tpu.memory_space<vmem>>, %arg3: memref<128x128xf32, #tpu.memory_space<vmem>>, %arg4: memref<1024x128xf32, #tpu.memory_space<vmem>>) attributes {dimension_semantics = [#tpu.dimension_semantics<arbitrary>], iteration_bounds = array<i64: 10>, scalar_prefetch = 0 : i64, scratch_operands = 0 : i64, tpu.core_type = #tpu.core_type<tc>, window_params = [{transform_indices = @transform_0, window_bounds = array<i64: 2, 1024, 1>}, {transform_indices = @transform_1, window_bounds = array<i64: 1024, 128>}, {pipeline_mode = #tpu.pipeline_mode<synchronous>, transform_indices = @transform_2, window_bounds = array<i64: 128, 128>}, {transform_indices = @transform_3, window_bounds = array<i64: 1024, 128>}]} {
    %get3A = arith.constant 0 : index
    %get3A_0 = arith.constant 0 : index
    %get3A_1 = arith.constant 0 : index
    %get3A_2 = vector.load %arg1[%get3A, %get3A_0, %get3A_1] : memref<2x1024x1xf32, #tpu.memory_space<vmem>>, vector<1x1024x1xf32>
    %get3A_3 = vector.shape_cast %get3A_2 : vector<1x1024x1xf32> to vector<1024x1xf32>
    %get3A_4 = arith.constant 1 : index
    %get3A_5 = arith.constant 0 : index
    %get3A_6 = arith.constant 0 : index
    %get3A_7 = vector.load %arg1[%get3A_4, %get3A_5, %get3A_6] : memref<2x1024x1xf32, #tpu.memory_space<vmem>>, vector<1x1024x1xf32>
    %get3A_8 = vector.shape_cast %get3A_7 : vector<1x1024x1xf32> to vector<1024x1xf32>
    %add3A = arith.addf %get3A_3, %get3A_8 : vector<1024x1xf32>
    %add3A_9 = arith.constant 1.000000e+00 : f32
    %add3A_10 = vector.broadcast %add3A_9 : f32 to vector<1024x1xf32>
    %add3A_11 = arith.addf %add3A, %add3A_10 : vector<1024x1xf32>
    %rsqrt3A = math.rsqrt %add3A_11 : vector<1024x1xf32>
    %get3A_12 = arith.constant 0 : index
    %get3A_13 = arith.constant 0 : index
    %get3A_14 = vector.load %arg2[%get3A_12, %get3A_13] : memref<1024x128xf32, #tpu.memory_space<vmem>>, vector<1024x128xf32>
    %get3A_15 = arith.constant 0 : index
    %get3A_16 = arith.constant 0 : index
    %get3A_17 = vector.load %arg3[%get3A_15, %get3A_16] : memref<128x128xf32, #tpu.memory_space<vmem>>, vector<128x128xf32>
    %dot_general3A = arith.constant dense<0.000000e+00> : vector<1024x128xf32>
    %dot_general3A_18 = tpu.matmul %get3A_14, %get3A_17, %dot_general3A {dimension_numbers = #tpu.dot_dimension_numbers<[1], [0], [0], [1], [0, 0, 1, 1], [], []>, transpose_lhs_hint = false} : vector<1024x128xf32>, vector<128x128xf32>, vector<1024x128xf32> -> vector<1024x128xf32>
    %mul3A = vector.broadcast %rsqrt3A : vector<1024x1xf32> to vector<1024x128xf32>
    %mul3A_19 = arith.mulf %dot_general3A_18, %mul3A : vector<1024x128xf32>
    %swap3A = arith.constant 0 : index
    %swap3A_20 = arith.constant 0 : index
    %swap3A_21 = vector.load %arg4[%swap3A, %swap3A_20] : memref<1024x128xf32, #tpu.memory_space<vmem>>, vector<1024x128xf32>
    tpu.vector_store %arg4[%swap3A, %swap3A_20], %mul3A_19 {strides = array<i32>} : memref<1024x128xf32, #tpu.memory_space<vmem>>, vector<1024x128xf32>,
    return
  }
  func.func @transform_0(%arg0: i32) -> (i32, i32, i32) {
    %c0_i32 = arith.constant 0 : i32
    %c0_i32_0 = arith.constant 0 : i32
    %c0_i32_1 = arith.constant 0 : i32
    return %c0_i32, %arg0, %c0_i32_0 : i32, i32, i32
  }
  func.func @transform_1(%arg0: i32) -> (i32, i32) {
    %c0_i32 = arith.constant 0 : i32
    %c0_i32_0 = arith.constant 0 : i32
    return %arg0, %c0_i32 : i32, i32
  }
  func.func @transform_2(%arg0: i32) -> (i32, i32) {
    %c0_i32 = arith.constant 0 : i32
    %c0_i32_0 = arith.constant 0 : i32
    %c0_i32_1 = arith.constant 0 : i32
    return %c0_i32, %c0_i32_0 : i32, i32
  }
  func.func @transform_3(%arg0: i32) -> (i32, i32) {
    %c0_i32 = arith.constant 0 : i32
    %c0_i32_0 = arith.constant 0 : i32
    return %arg0, %c0_i32 : i32, i32
  }
}

module attributes {stable_mosaic.version = 14 : i64} {
  func.func @_mid_body(%arg0: i32, %arg1: memref<2x1024x1xf32, #tpu.memory_space<vmem>>, %arg2: memref<2x1024x128xf32, #tpu.memory_space<vmem>>, %arg3: memref<1024x128xf32, #tpu.memory_space<vmem>>, %arg4: memref<1x128xf32, #tpu.memory_space<vmem>>, %arg5: memref<128x128xf32, #tpu.memory_space<vmem>>, %arg6: memref<1024x128xf32, #tpu.memory_space<vmem>>) attributes {dimension_semantics = [#tpu.dimension_semantics<arbitrary>], iteration_bounds = array<i64: 10>, scalar_prefetch = 0 : i64, scratch_operands = 0 : i64, tpu.core_type = #tpu.core_type<tc>, window_params = [{transform_indices = @transform_0, window_bounds = array<i64: 2, 1024, 1>}, {transform_indices = @transform_1, window_bounds = array<i64: 2, 1024, 128>}, {transform_indices = @transform_2, window_bounds = array<i64: 1024, 128>}, {pipeline_mode = #tpu.pipeline_mode<synchronous>, transform_indices = @transform_3, window_bounds = array<i64: 1, 128>}, {pipeline_mode = #tpu.pipeline_mode<synchronous>, transform_indices = @transform_4, window_bounds = array<i64: 128, 128>}, {transform_indices = @transform_5, window_bounds = array<i64: 1024, 128>}]} {
    %get3A = arith.constant 0 : index
    %get3A_0 = arith.constant 0 : index
    %get3A_1 = arith.constant 0 : index
    %get3A_2 = vector.load %arg1[%get3A, %get3A_0, %get3A_1] : memref<2x1024x1xf32, #tpu.memory_space<vmem>>, vector<1x1024x1xf32>
    %get3A_3 = vector.shape_cast %get3A_2 : vector<1x1024x1xf32> to vector<1024x1xf32>
    %get3A_4 = arith.constant 1 : index
    %get3A_5 = arith.constant 0 : index
    %get3A_6 = arith.constant 0 : index
    %get3A_7 = vector.load %arg1[%get3A_4, %get3A_5, %get3A_6] : memref<2x1024x1xf32, #tpu.memory_space<vmem>>, vector<1x1024x1xf32>
    %get3A_8 = vector.shape_cast %get3A_7 : vector<1x1024x1xf32> to vector<1024x1xf32>
    %add3A = arith.addf %get3A_3, %get3A_8 : vector<1024x1xf32>
    %add3A_9 = arith.constant 1.000000e+00 : f32
    %add3A_10 = vector.broadcast %add3A_9 : f32 to vector<1024x1xf32>
    %add3A_11 = arith.addf %add3A, %add3A_10 : vector<1024x1xf32>
    %rsqrt3A = math.rsqrt %add3A_11 : vector<1024x1xf32>
    %get3A_12 = arith.constant 0 : index
    %get3A_13 = arith.constant 0 : index
    %get3A_14 = arith.constant 0 : index
    %get3A_15 = vector.load %arg2[%get3A_12, %get3A_13, %get3A_14] : memref<2x1024x128xf32, #tpu.memory_space<vmem>>, vector<1x1024x128xf32>
    %get3A_16 = vector.shape_cast %get3A_15 : vector<1x1024x128xf32> to vector<1024x128xf32>
    %get3A_17 = arith.constant 1 : index
    %get3A_18 = arith.constant 0 : index
    %get3A_19 = arith.constant 0 : index
    %get3A_20 = vector.load %arg2[%get3A_17, %get3A_18, %get3A_19] : memref<2x1024x128xf32, #tpu.memory_space<vmem>>, vector<1x1024x128xf32>
    %get3A_21 = vector.shape_cast %get3A_20 : vector<1x1024x128xf32> to vector<1024x128xf32>
    %add3A_22 = arith.addf %get3A_16, %get3A_21 : vector<1024x128xf32>
    %get3A_23 = arith.constant 0 : index
    %get3A_24 = arith.constant 0 : index
    %get3A_25 = vector.load %arg3[%get3A_23, %get3A_24] : memref<1024x128xf32, #tpu.memory_space<vmem>>, vector<1024x128xf32>
    %sub3A = arith.subf %add3A_22, %get3A_25 : vector<1024x128xf32>
    %mul3A = vector.broadcast %rsqrt3A : vector<1024x1xf32> to vector<1024x128xf32>
    %mul3A_26 = arith.mulf %sub3A, %mul3A : vector<1024x128xf32>
    %get3A_27 = arith.constant 0 : index
    %get3A_28 = arith.constant 0 : index
    %get3A_29 = vector.load %arg4[%get3A_27, %get3A_28] : memref<1x128xf32, #tpu.memory_space<vmem>>, vector<1x128xf32>
    %add3A_30 = vector.broadcast %get3A_29 : vector<1x128xf32> to vector<1024x128xf32>
    %add3A_31 = arith.addf %mul3A_26, %add3A_30 : vector<1024x128xf32>
    %max3A = arith.constant 0.000000e+00 : f32
    %max3A_32 = vector.broadcast %max3A : f32 to vector<1024x128xf32>
    %max3A_33 = arith.maximumf %add3A_31, %max3A_32 : vector<1024x128xf32>
    %iota3A = tpu.iota {dimensions = array<i32: 0>} : vector<1024x1xi32>
    %mul3A_34 = arith.constant 1024 : i32
    %mul3A_35 = arith.muli %arg0, %mul3A_34 : i32
    %add3A_36 = vector.broadcast %mul3A_35 : i32 to vector<1024x1xi32>
    %add3A_37 = arith.addi %iota3A, %add3A_36 : vector<1024x1xi32>
    %get3A_38 = arith.constant 0 : index
    %get3A_39 = arith.constant 0 : index
    %get3A_40 = vector.load %arg5[%get3A_38, %get3A_39] : memref<128x128xf32, #tpu.memory_space<vmem>>, vector<128x128xf32>
    %dot_general3A = arith.constant dense<0.000000e+00> : vector<1024x128xf32>
    %dot_general3A_41 = tpu.matmul %max3A_33, %get3A_40, %dot_general3A {dimension_numbers = #tpu.dot_dimension_numbers<[1], [0], [0], [1], [0, 0, 1, 1], [], []>, transpose_lhs_hint = false} : vector<1024x128xf32>, vector<128x128xf32>, vector<1024x128xf32> -> vector<1024x128xf32>
    %mul3A_42 = vector.broadcast %rsqrt3A : vector<1024x1xf32> to vector<1024x128xf32>
    %mul3A_43 = arith.mulf %dot_general3A_41, %mul3A_42 : vector<1024x128xf32>
    %lt3A = arith.constant 10000 : i32
    %lt3A_44 = vector.broadcast %lt3A : i32 to vector<1024x1xi32>
    %lt3A_45 = arith.cmpi slt, %add3A_37, %lt3A_44 : vector<1024x1xi32>
    %jit3A = arith.constant 0.000000e+00 : f32
    %broadcast_in_dim3A = vector.shape_cast %lt3A_45 : vector<1024x1xi1> to vector<1024x1xi1>
    %broadcast_in_dim3A_46 = vector.broadcast %broadcast_in_dim3A : vector<1024x1xi1> to vector<1024x128xi1>
    %broadcast_in_dim3A_47 = vector.broadcast %jit3A : f32 to vector<1024x128xf32>
    %select_n3A = arith.select %broadcast_in_dim3A_46, %mul3A_43, %broadcast_in_dim3A_47 : vector<1024x128xi1>, vector<1024x128xf32>
    %swap3A = arith.constant 0 : index
    %swap3A_48 = arith.constant 0 : index
    %swap3A_49 = vector.load %arg6[%swap3A, %swap3A_48] : memref<1024x128xf32, #tpu.memory_space<vmem>>, vector<1024x128xf32>
    tpu.vector_store %arg6[%swap3A, %swap3A_48], %select_n3A {strides = array<i32>} : memref<1024x128xf32, #tpu.memory_space<vmem>>, vector<1024x128xf32>,
    return
  }
  func.func @transform_0(%arg0: i32) -> (i32, i32, i32) {
    %c0_i32 = arith.constant 0 : i32
    %c0_i32_0 = arith.constant 0 : i32
    %c0_i32_1 = arith.constant 0 : i32
    return %c0_i32, %arg0, %c0_i32_0 : i32, i32, i32
  }
  func.func @transform_1(%arg0: i32) -> (i32, i32, i32) {
    %c0_i32 = arith.constant 0 : i32
    %c0_i32_0 = arith.constant 0 : i32
    %c0_i32_1 = arith.constant 0 : i32
    return %c0_i32, %arg0, %c0_i32_0 : i32, i32, i32
  }
  func.func @transform_2(%arg0: i32) -> (i32, i32) {
    %c0_i32 = arith.constant 0 : i32
    %c0_i32_0 = arith.constant 0 : i32
    return %arg0, %c0_i32 : i32, i32
  }
  func.func @transform_3(%arg0: i32) -> (i32, i32) {
    %c0_i32 = arith.constant 0 : i32
    %c0_i32_0 = arith.constant 0 : i32
    %c0_i32_1 = arith.constant 0 : i32
    return %c0_i32, %c0_i32_0 : i32, i32
  }
  func.func @transform_4(%arg0: i32) -> (i32, i32) {
    %c0_i32 = arith.constant 0 : i32
    %c0_i32_0 = arith.constant 0 : i32
    %c0_i32_1 = arith.constant 0 : i32
    return %c0_i32, %c0_i32_0 : i32, i32
  }
  func.func @transform_5(%arg0: i32) -> (i32, i32) {
    %c0_i32 = arith.constant 0 : i32
    %c0_i32_0 = arith.constant 0 : i32
    return %arg0, %c0_i32 : i32, i32
  }
}

module attributes {stable_mosaic.version = 14 : i64} {
  func.func @_fin_body(%arg0: i32, %arg1: memref<2x1024x1xf32, #tpu.memory_space<vmem>>, %arg2: memref<2x1024x128xf32, #tpu.memory_space<vmem>>, %arg3: memref<1024x128xf32, #tpu.memory_space<vmem>>, %arg4: memref<1x128xf32, #tpu.memory_space<vmem>>, %arg5: memref<128x128xf32, #tpu.memory_space<vmem>>, %arg6: memref<1x128xf32, #tpu.memory_space<vmem>>, %arg7: memref<1024x128xf32, #tpu.memory_space<vmem>>) attributes {dimension_semantics = [#tpu.dimension_semantics<arbitrary>], iteration_bounds = array<i64: 10>, scalar_prefetch = 0 : i64, scratch_operands = 0 : i64, tpu.core_type = #tpu.core_type<tc>, window_params = [{transform_indices = @transform_0, window_bounds = array<i64: 2, 1024, 1>}, {transform_indices = @transform_1, window_bounds = array<i64: 2, 1024, 128>}, {transform_indices = @transform_2, window_bounds = array<i64: 1024, 128>}, {pipeline_mode = #tpu.pipeline_mode<synchronous>, transform_indices = @transform_3, window_bounds = array<i64: 1, 128>}, {pipeline_mode = #tpu.pipeline_mode<synchronous>, transform_indices = @transform_4, window_bounds = array<i64: 128, 128>}, {pipeline_mode = #tpu.pipeline_mode<synchronous>, transform_indices = @transform_5, window_bounds = array<i64: 1, 128>}, {transform_indices = @transform_6, window_bounds = array<i64: 1024, 128>}]} {
    %get3A = arith.constant 0 : index
    %get3A_0 = arith.constant 0 : index
    %get3A_1 = arith.constant 0 : index
    %get3A_2 = vector.load %arg1[%get3A, %get3A_0, %get3A_1] : memref<2x1024x1xf32, #tpu.memory_space<vmem>>, vector<1x1024x1xf32>
    %get3A_3 = vector.shape_cast %get3A_2 : vector<1x1024x1xf32> to vector<1024x1xf32>
    %get3A_4 = arith.constant 1 : index
    %get3A_5 = arith.constant 0 : index
    %get3A_6 = arith.constant 0 : index
    %get3A_7 = vector.load %arg1[%get3A_4, %get3A_5, %get3A_6] : memref<2x1024x1xf32, #tpu.memory_space<vmem>>, vector<1x1024x1xf32>
    %get3A_8 = vector.shape_cast %get3A_7 : vector<1x1024x1xf32> to vector<1024x1xf32>
    %add3A = arith.addf %get3A_3, %get3A_8 : vector<1024x1xf32>
    %add3A_9 = arith.constant 1.000000e+00 : f32
    %add3A_10 = vector.broadcast %add3A_9 : f32 to vector<1024x1xf32>
    %add3A_11 = arith.addf %add3A, %add3A_10 : vector<1024x1xf32>
    %rsqrt3A = math.rsqrt %add3A_11 : vector<1024x1xf32>
    %get3A_12 = arith.constant 0 : index
    %get3A_13 = arith.constant 0 : index
    %get3A_14 = arith.constant 0 : index
    %get3A_15 = vector.load %arg2[%get3A_12, %get3A_13, %get3A_14] : memref<2x1024x128xf32, #tpu.memory_space<vmem>>, vector<1x1024x128xf32>
    %get3A_16 = vector.shape_cast %get3A_15 : vector<1x1024x128xf32> to vector<1024x128xf32>
    %get3A_17 = arith.constant 1 : index
    %get3A_18 = arith.constant 0 : index
    %get3A_19 = arith.constant 0 : index
    %get3A_20 = vector.load %arg2[%get3A_17, %get3A_18, %get3A_19] : memref<2x1024x128xf32, #tpu.memory_space<vmem>>, vector<1x1024x128xf32>
    %get3A_21 = vector.shape_cast %get3A_20 : vector<1x1024x128xf32> to vector<1024x128xf32>
    %add3A_22 = arith.addf %get3A_16, %get3A_21 : vector<1024x128xf32>
    %get3A_23 = arith.constant 0 : index
    %get3A_24 = arith.constant 0 : index
    %get3A_25 = vector.load %arg3[%get3A_23, %get3A_24] : memref<1024x128xf32, #tpu.memory_space<vmem>>, vector<1024x128xf32>
    %sub3A = arith.subf %add3A_22, %get3A_25 : vector<1024x128xf32>
    %mul3A = vector.broadcast %rsqrt3A : vector<1024x1xf32> to vector<1024x128xf32>
    %mul3A_26 = arith.mulf %sub3A, %mul3A : vector<1024x128xf32>
    %get3A_27 = arith.constant 0 : index
    %get3A_28 = arith.constant 0 : index
    %get3A_29 = vector.load %arg4[%get3A_27, %get3A_28] : memref<1x128xf32, #tpu.memory_space<vmem>>, vector<1x128xf32>
    %add3A_30 = vector.broadcast %get3A_29 : vector<1x128xf32> to vector<1024x128xf32>
    %add3A_31 = arith.addf %mul3A_26, %add3A_30 : vector<1024x128xf32>
    %max3A = arith.constant 0.000000e+00 : f32
    %max3A_32 = vector.broadcast %max3A : f32 to vector<1024x128xf32>
    %max3A_33 = arith.maximumf %add3A_31, %max3A_32 : vector<1024x128xf32>
    %get3A_34 = arith.constant 0 : index
    %get3A_35 = arith.constant 0 : index
    %get3A_36 = vector.load %arg5[%get3A_34, %get3A_35] : memref<128x128xf32, #tpu.memory_space<vmem>>, vector<128x128xf32>
    %dot_general3A = arith.constant dense<0.000000e+00> : vector<1024x128xf32>
    %dot_general3A_37 = tpu.matmul %max3A_33, %get3A_36, %dot_general3A {dimension_numbers = #tpu.dot_dimension_numbers<[1], [0], [0], [1], [0, 0, 1, 1], [], []>, transpose_lhs_hint = false} : vector<1024x128xf32>, vector<128x128xf32>, vector<1024x128xf32> -> vector<1024x128xf32>
    %get3A_38 = arith.constant 0 : index
    %get3A_39 = arith.constant 0 : index
    %get3A_40 = vector.load %arg6[%get3A_38, %get3A_39] : memref<1x128xf32, #tpu.memory_space<vmem>>, vector<1x128xf32>
    %add3A_41 = vector.broadcast %get3A_40 : vector<1x128xf32> to vector<1024x128xf32>
    %add3A_42 = arith.addf %dot_general3A_37, %add3A_41 : vector<1024x128xf32>
    %iota3A = tpu.iota {dimensions = array<i32: 1>} : vector<1024x128xi32>
    %lt3A = arith.constant 5 : i32
    %lt3A_43 = vector.broadcast %lt3A : i32 to vector<1024x128xi32>
    %lt3A_44 = arith.cmpi slt, %iota3A, %lt3A_43 : vector<1024x128xi32>
    %jit3A = arith.constant -1.000000e+30 : f32
    %broadcast_in_dim3A = vector.broadcast %jit3A : f32 to vector<1024x128xf32>
    %select_n3A = arith.select %lt3A_44, %add3A_42, %broadcast_in_dim3A : vector<1024x128xi1>, vector<1024x128xf32>
    %reduce_max3A = arith.constant dense<0xFF800000> : vector<1024xf32>
    %reduce_max3A_45 = vector.multi_reduction <maximumf>, %select_n3A, %reduce_max3A [1] : vector<1024x128xf32> to vector<1024xf32>
    %broadcast_in_dim3A_46 = vector.shape_cast %reduce_max3A_45 : vector<1024xf32> to vector<1024x1xf32>
    %sub3A_47 = vector.broadcast %broadcast_in_dim3A_46 : vector<1024x1xf32> to vector<1024x128xf32>
    %sub3A_48 = arith.subf %select_n3A, %sub3A_47 : vector<1024x128xf32>
    %exp3A = math.exp %sub3A_48 : vector<1024x128xf32>
    %reduce_sum3A = arith.constant dense<0.000000e+00> : vector<1024xf32>
    %reduce_sum3A_49 = vector.multi_reduction <add>, %exp3A, %reduce_sum3A [1] : vector<1024x128xf32> to vector<1024xf32>
    %broadcast_in_dim3A_50 = vector.shape_cast %reduce_sum3A_49 : vector<1024xf32> to vector<1024x1xf32>
    %div3A = vector.broadcast %broadcast_in_dim3A_50 : vector<1024x1xf32> to vector<1024x128xf32>
    %div3A_51 = arith.divf %exp3A, %div3A : vector<1024x128xf32>
    %swap3A = arith.constant 0 : index
    %swap3A_52 = arith.constant 0 : index
    %swap3A_53 = vector.load %arg7[%swap3A, %swap3A_52] : memref<1024x128xf32, #tpu.memory_space<vmem>>, vector<1024x128xf32>
    tpu.vector_store %arg7[%swap3A, %swap3A_52], %div3A_51 {strides = array<i32>} : memref<1024x128xf32, #tpu.memory_space<vmem>>, vector<1024x128xf32>,
    return
  }
  func.func @transform_0(%arg0: i32) -> (i32, i32, i32) {
    %c0_i32 = arith.constant 0 : i32
    %c0_i32_0 = arith.constant 0 : i32
    %c0_i32_1 = arith.constant 0 : i32
    return %c0_i32, %arg0, %c0_i32_0 : i32, i32, i32
  }
  func.func @transform_1(%arg0: i32) -> (i32, i32, i32) {
    %c0_i32 = arith.constant 0 : i32
    %c0_i32_0 = arith.constant 0 : i32
    %c0_i32_1 = arith.constant 0 : i32
    return %c0_i32, %arg0, %c0_i32_0 : i32, i32, i32
  }
  func.func @transform_2(%arg0: i32) -> (i32, i32) {
    %c0_i32 = arith.constant 0 : i32
    %c0_i32_0 = arith.constant 0 : i32
    return %arg0, %c0_i32 : i32, i32
  }
  func.func @transform_3(%arg0: i32) -> (i32, i32) {
    %c0_i32 = arith.constant 0 : i32
    %c0_i32_0 = arith.constant 0 : i32
    %c0_i32_1 = arith.constant 0 : i32
    return %c0_i32, %c0_i32_0 : i32, i32
  }
  func.func @transform_4(%arg0: i32) -> (i32, i32) {
    %c0_i32 = arith.constant 0 : i32
    %c0_i32_0 = arith.constant 0 : i32
    %c0_i32_1 = arith.constant 0 : i32
    return %c0_i32, %c0_i32_0 : i32, i32
  }
  func.func @transform_5(%arg0: i32) -> (i32, i32) {
    %c0_i32 = arith.constant 0 : i32
    %c0_i32_0 = arith.constant 0 : i32
    %c0_i32_1 = arith.constant 0 : i32
    return %c0_i32, %c0_i32_0 : i32, i32
  }
  func.func @transform_6(%arg0: i32) -> (i32, i32) {
    %c0_i32 = arith.constant 0 : i32
    %c0_i32_0 = arith.constant 0 : i32
    return %arg0, %c0_i32 : i32, i32
  }
}

</mosaic_0001>

<sc_bundles>
// kernel: kernel.11.cloned.1.call-start
scs
__scs_entry_jumppad:
0x0: {  	(pc) =	sbr.rel $0x88, $3  }
0x1: {  	(tag) =	ssettag $0x0;
	lr =	simm.s32 $0x1  }
0x2: {  	[smem:$0x3F99] =	sst lr;
	_ =	strace $0xD0000000  }
0x3: {  	_ = 	snop  }
0x4: {  	_ = 	snop  }
0x5: {  	_ = 	snop  }
0x6: {  	_ = 	snop  }
0x7: {  	_ = 	snop  }
__scs_overlays_trampoline_lowered:
0x8: {  	[smem:$0x3FA8] =	sst s0  }
0x9: {  	[smem:$0x3FA9] =	sst s1  }
0xa: {  	[smem:$0x3FAA] =	sst s2  }
0xb: {  	[smem:$0x3FAB] =	sst s3  }
0xc: {  	[smem:$0x3FAC] =	sst s4  }
0xd: {  	[smem:$0x3FAD] =	sst s5  }
0xe: {  	[smem:$0x3FAE] =	sst s6  }
0xf: {  	[smem:$0x3FAF] =	sst s7  }
0x10: {  	[smem:$0x3FB0] =	sst s8  }
0x11: {  	[smem:$0x3FB1] =	sst s9;
	s0 =	simm.s32 @!p0 $0x0  }
0x12: {  	s1 =	sld [smem:$0x3F97];
	s0 =	simm.s32 @p0 $0x1  }
0x13: {  	[smem:$0x3FB2] =	sst s0;
	s0 =	simm.s32 @!p1 $0x0  }
0x14: {  	s2 =	sld [smem:$0x3F96];
	s0 =	simm.s32 @p1 $0x1  }
0x15: {  	[smem:$0x3FB3] =	sst s0;
	s0 =	simm.s32 @!p2 $0x0  }
0x16: {  	s3 =	sld [smem:$0x3FDB];
	s0 =	simm.s32 @p2 $0x1  }
0x17: {  	s4 =	simm.s32 $0x1BF5;
	[smem:$0x3FB5] =	sst s0  }
0x18: {  	s0 =	sld [smem:$0x3F98];
	_ =	swait.ge [sflag:s4], $0x0  }
0x19: {  	s7 =	sld [smem:$0x3F99]  }
0x1a: {  	s8 =	sadd.s32 $0xFFFFE003, lr  }
0x1b: {  	s9 =	sadd.s32 $0xFFFFFEF7, lr;
	s5 =	simm.s32 $0xFFFFFFFF;
	p2 =	slt.u32 s8, $0xFFFFF086  }
0x1c: {  	p1 =	slt.u32 s9, $0xF7A;
	s5 =	simm.s32 @!p2 $0x0  }
0x1d: {  	s5 =	simm.s32 @p1 $0x1;
	p0 =	seq.s32 s7, s2  }
0x1e: {  	s7 =	smul.u32 @!p0 $0xF7A, s2;
	p2 =	seq.s32 @!p0 s5, $0x0  }
0x1f: {  	s9 =	smul.u32 $0xF7A, s1;
	s8 =	simm.s32 @!p0 $0x1BF5;
	p2 =	por !p2, p0  }
0x20: {  	[sflag:s8] =	ssyncset.s32 @!p0 $0xFFFFF086;
	s6 =	sadd.s32 @!p0 s3, s7;
	s7 =	simm.s32 @!p0 $0x108  }
0x21: {  	s3 =	sadd.s32 s3, s9;
	s6 =	sadd.s32 @!p0 $0x88, s6;
	s7 =	simm.s32 @p2 $0x1082  }
0x22: {  	[simem:s7], [sflag:s8] =	dma.local @!p0 [hbm:s6], $0xF7A  }
0x23: {  	s9 =	sor.u32 $0xD0000000, s2;
	s6 =	simm.s32 $0x108;
	_ =	swait.ge @!p0 [sflag:s8], $0x0  }
0x24: {  	s3 =	sadd.s32 $0x88, s3;
	s6 =	simm.s32 @!p1 $0x1082;
	[sflag:s4] =	ssyncset.s32 $0xFFFFF086  }
0x25: {  	[simem:s6], [sflag:s4] =	dma.local [hbm:s3], $0xF7A  }
0x26: {  	[smem:$0x3F99] =	sst s1;
	(tag) =	ssettag s2;
	_ =	strace s9  }
0x27: {  	s1 =	sld [smem:$0x3FA9]  }
0x28: {  	s2 =	sld [smem:$0x3FAA]  }
0x29: {  	s4 =	sld [smem:$0x3FAC]  }
0x2a: {  	p0 =	seq.s32 s5, $0x0;
	s5 =	sld [smem:$0x3FAD]  }
0x2b: {  	s6 =	sld [smem:$0x3FAE]  }
0x2c: {  	s7 =	sld [smem:$0x3FAF]  }
0x2d: {  	s3 =	simm.s32 $0x108;
	s8 =	sld [smem:$0x3FB0]  }
0x2e: {  	s3 =	simm.s32 @!p0 $0x1082;
	s9 =	sld [smem:$0x3FB1]  }
0x2f: {  	lr =	sadd.s32 s0, s3;
	s0 =	sld [smem:$0x3FA8]  }
0x30: {  	s3 =	sld [smem:$0x3FAB]  }
0x31: {  	[smem:$0x3FB4] =	sst s10  }
0x32: {  	s10 =	sld [smem:$0x3FB2];
	_ =	sdelay $0x3  }
0x33: {  	p0 =	seq.s32 s10, $0x1;
	s10 =	sld [smem:$0x3FB4];
	_ =	sdelay $0x3  }
0x34: {  	[smem:$0x3FB4] =	sst s10  }
0x35: {  	s10 =	sld [smem:$0x3FB3];
	_ =	sdelay $0x3  }
0x36: {  	p1 =	seq.s32 s10, $0x1;
	s10 =	sld [smem:$0x3FB4];
	_ =	sdelay $0x3  }
0x37: {  	[smem:$0x3FB4] =	sst s10  }
0x38: {  	s10 =	sld [smem:$0x3FB5]  }
0x39: {  	_ = 	snop;
	(pc) =	sbr.ind lr, $3  }
0x3a: {  	_ = 	snop  }
0x3b: {  	_ = 	snop  }
0x3c: {  	p2 =	seq.s32 s10, $0x1;
	s10 =	sld [smem:$0x3FB4]  }
0x3d: {  	_ =	shalt  }
0x3e: {  	_ =	shalt  }
0x3f: {  	_ =	shalt  }
0x40: {  	_ =	shalt  }
0x41: {  	_ =	shalt  }
0x42: {  	_ =	shalt  }
0x43: {  	_ =	shalt  }
0x44: {  	_ =	shalt  }
0x45: {  	_ =	shalt  }
0x46: {  	_ =	shalt  }
0x47: {  	_ =	shalt  }
0x48: {  	_ =	shalt  }
0x49: {  	_ =	shalt  }
0x4a: {  	_ =	shalt  }
0x4b: {  	_ =	shalt  }
0x4c: {  	_ =	shalt  }
0x4d: {  	_ =	shalt  }
0x4e: {  	_ =	shalt  }
0x4f: {  	_ =	shalt  }
0x50: {  	_ =	shalt  }
0x51: {  	_ =	shalt  }
0x52: {  	_ =	shalt  }
0x53: {  	_ =	shalt  }
0x54: {  	_ =	shalt  }
0x55: {  	_ =	shalt  }
0x56: {  	_ =	shalt  }
0x57: {  	_ =	shalt  }
0x58: {  	_ =	shalt  }
0x59: {  	_ =	shalt  }
0x5a: {  	_ =	shalt  }
0x5b: {  	_ =	shalt  }
0x5c: {  	_ =	shalt  }
0x5d: {  	_ =	shalt  }
0x5e: {  	_ =	shalt  }
0x5f: {  	_ =	shalt  }
0x60: {  	_ =	shalt  }
0x61: {  	_ =	shalt  }
0x62: {  	_ =	shalt  }
0x63: {  	_ =	shalt  }
0x64: {  	_ =	shalt  }
0x65: {  	_ =	shalt  }
0x66: {  	_ =	shalt  }
0x67: {  	_ =	shalt  }
0x68: {  	_ =	shalt  }
0x69: {  	_ =	shalt  }
0x6a: {  	_ =	shalt  }
0x6b: {  	_ =	shalt  }
0x6c: {  	_ =	shalt  }
0x6d: {  	_ =	shalt  }
0x6e: {  	_ =	shalt  }
0x6f: {  	_ =	shalt  }
0x70: {  	_ =	shalt  }
0x71: {  	_ =	shalt  }
0x72: {  	_ =	shalt  }
0x73: {  	_ =	shalt  }
0x74: {  	_ =	shalt  }
0x75: {  	_ =	shalt  }
0x76: {  	_ =	shalt  }
0x77: {  	_ =	shalt  }
0x78: {  	_ =	shalt  }
0x79: {  	_ =	shalt  }
0x7a: {  	_ =	shalt  }
0x7b: {  	_ =	shalt  }
0x7c: {  	_ =	shalt  }
0x7d: {  	_ =	shalt  }
0x7e: {  	_ =	shalt  }
0x7f: {  	_ =	shalt  }
0x80: {  	_ =	shalt  }
0x81: {  	_ =	shalt  }
0x82: {  	_ =	shalt  }
0x83: {  	_ =	shalt  }
0x84: {  	_ =	shalt  }
0x85: {  	_ =	shalt  }
0x86: {  	_ =	shalt  }
0x87: {  	_ =	shalt  }
.Lfunc_end0:
.L_simem_size_0:
called_computation.1_lowered:
.L_overlay_start_0:
0x88: {  	s2 =	sld [smem:$0x3FD9]  }
0x89: {  	s3 =	sld [smem:$0x3FFE];
	_ =	sdelay $0x1  }
0x8a: {  	s1 =	srdreg.scid  }
0x8b: {  	s0 =	sand.u32 $0x1, s1  }
0x8c: {  	s16 =	sshll.u32 s0, $0xA;
	s2 =	sadd.s32 s3, s2  }
0x8d: {  	s2 =	sadd.s32 s2, s16  }
0x8e: {  	[smem:$0x3FC0] =	sst s2  }
0x8f: {  	_ = 	snop  }
0x90: {  	(tm) =	ssettm $0x1  }
0x91: {  	s17 =	sld [smem:$0x3FFB];
	_ =	sdelay $0x3  }
0x92: {  	_ =	strace s17  }
0x93: {  	s2 =	sld [smem:$0x3FFC];
	_ =	sdelay $0x3  }
0x94: {  	_ =	strace s2  }
0x95: {  	s2 =	sld [smem:$0x3FFD];
	_ =	sdelay $0x3  }
0x96: {  	_ =	strace s2  }
0x97: {  	_ =	strace $0x8FFFFFFF  }
0x98: {  	s18 =	sld [smem:$0x3FDB];
	_ =	sdelay $0x1  }
0x99: {  	s19 =	simm.s32 $_scs_section_size  }
0x9a: {  	s4 =	simm.s32 $_size__tile_overlayer_lowered;
	s5 =	simm.s32 $_tile_overlayer_lowered  }
0x9b: {  	s22 =	simm.s32 $0x1BFF;
	s21 =	sshll.u32 s5, $0x1;
	s2 =	sadd.s32 s19, s18  }
0x9c: {  	s6 =	simm.s32 $0x0;
	s20 =	sshll.u32 s4, $0x1;
	s4 =	sadd.s32 s21, s2  }
0x9d: {  	[timem:s6], [sflag:s22] =	dma.local [hbm:s4], s20  }
0x9e: {  	_ =	swait.ge [sflag:s22], s20  }
0x9f: {  	s3 =	ssub.s32 $0x0, s20;
	[sflag:s22] =	ssyncset.done $0x0  }
0xa0: {  	[sflag:s22] =	ssyncadd.s32 s3;
	_ =	sdelay $0x1  }
0xa1: {  	s23 =	simm.s32 $0x1B8B  }
0xa2: {  	_ =	swait.ge [sflag:s23], $0x1  }
0xa3: {  	[sflag:s23] =	ssyncset.done $0x0  }
0xa4: {  	s25 =	simm.s32 $0x1B8E;
	s24 =	sld [smem:$0x3FFE];
	[sflag:s23] =	ssyncadd.s32 $0xFFFFFFFF  }
0xa5: {  	s26 =	simm.s32 $execute0_lowered;
	[smem:$0x3FD2] =	sst s25  }
0xa6: {  	s4 =	sshll.u32 s26, $0x1;
	_ =	strace $0x80000049;
	[dreg:$0x1] =	wrdreg $0xFFFFFFFF  }
0xa7: {  	s28 =	simm.s32 $_size_execute0_lowered;
	s2 =	sadd.s32 s2, s4;
	[dreg:$0x0] =	wrdreg $0x0  }
0xa8: {  	s4 =	sshll.u32 s28, $0x1;
	[dreg:$0x2] =	wrdreg s2  }
0xa9: {  	[dreg:$0x3] =	wrdreg s4  }
0xaa: {  	[dreg:$0x4] =	wrdreg $0xC0  }
0xab: {  	_ =	task [dreg:s6], $0x5FFFF  }
0xac: {  	[dreg:$0x1] =	wrdreg $0xFFFFFFFF  }
0xad: {  	[dreg:$0x0] =	wrdreg $0x60  }
0xae: {  	[dreg:$0x2] =	wrdreg s24  }
0xaf: {  	[dreg:$0x3] =	wrdreg $0xA8000  }
0xb0: {  	[dreg:$0x4] =	wrdreg $0x9  }
0xb1: {  	_ =	task.clear_ibuf [dreg:s6], $0x5FFFF;
	_ =	strace $0x90000049  }
0xb2: {  	s29 =	simm.s32 $0x9;
	_ =	strace $0x8000004B  }
0xb3: {  	_ =	swait.ge [sflag:s29], $0x1  }
0xb4: {  	[sflag:s29] =	ssyncadd.s32 $0xFFFFFFFF  }
0xb5: {  	_ =	strace $0x9000004B  }
0xb6: {  	_ =	sfence  }
0xb7: {  	s30 =	sld [smem:$0x0];
	_ =	sdelay $0x2  }
0xb8: {  	s31 =	sshll.u32 s1, $0xD;
	s1 =	sshrl.u32 s1, $0x2  }
0xb9: {  	s3 =	sand.u32 $0x4000, s31;
	s1 =	sadd.s32 s1, s30  }
0xba: {  	s0 =	sor.u32 s3, s0;
	s1 =	sshll.u32 s1, $0x11  }
0xbb: {  	s0 =	sor.u32 s1, s0  }
0xbc: {  	s0 =	sadd.s32 $0x8F2B, s0  }
0xbd: {  	[sflag:s0] =	ssyncadd.remote.s32 $0x1  }
0xbe: {  	_ =	sfence.sel $0xFFFF  }
0xbf: {  	[dreg:$0x0] =	wrdreg $0xFFFFFFFF;
	(pc) =	sbr.abs _section_cstart, $3  }
0xc0: {  	[dreg:$0x1] =	wrdreg $0xFFFFFFFF  }
0xc1: {  	_ =	task.clear_ibuf [dreg:s6], $0x2FFFF;
	_ =	strace $0x9FFFFFFF  }
0xc2: {  	(tm) =	ssettm $0x7FFFFFFF  }
0xc3: {  	_ =	shalt  }
tec
execute0_lowered:
.L_overlay_start_1:
0x0: {  	(tag) =	ssettag $0x1  }
0x1: {  	s5 =	rddreg [dreg:$0x0]  }
0x2: {  	s2 =	rddreg [dreg:$0x1];
	s3 =	simm.s32 $0x0;
	s4 =	srdreg.scid  }
0x3: {  	s1 =	stileid.u32;
	s16 =	simm.s32 $0x1400;
	s17 =	simm.s32 $0x3  }
0x4: {  	s18 =	simm.s32 $0x80;
	s19 =	simm.s32 $0x2800;
	s20 =	simm.s32 $0x6800  }
0x5: {  	s21 =	simm.s32 $0x1;
	s22 =	simm.s32 $0x2;
	s23 =	simm.s32 $0x1380  }
0x6: {  	s24 =	simm.s32 $0x2700;
	[smem:$0x7FF] =	sst s3;
	s6 =	sand.u32 $0x1, s4  }
0x7: {  	s7 =	smul.u32 $0x2800, s1;
	s4 =	sadd.s32 $0x16800, s5;
	s10 =	sadd.s32 $0x2800, s5  }
0x8: {  	s11 =	sadd.s32 $0xC800, s5;
	s12 =	smul.u32 $0x50000, s1;
	_ =	strace $0x8000004A  }
0x9: {  	s8 =	smul.u32 $0x28000, s6;
	s9 =	sshll.u32 s6, $0x4;
	s25 =	ssub.s32 $0x2, s6  }
0xa: {  	s6 =	sshll.u32 s1, $0x6;
	s26 =	sor.u32 s1, s9;
	s28 =	sshrl.u32 s25, $0x1  }
0xb: {  	s29 =	sshrl.u32 s12, $0x2;
	s8 =	sadd.s32 s7, s8;
	s30 =	smul.u32 $0x2800, s26  }
0xc: {  	s14 =	ssub.s32 s25, s28;
	s15 =	sadd.s32 s29, s2;
	s31 =	smul.u32 $0x500, s26  }
0xd: {  	s25 =	simm.s32 $0x2780;
	s26 =	simm.s32 $0x0;
	s13 =	sadd.s32 s8, s5  }
0xe: {  	s5 =	sadd.s32 s4, s7;
	s7 =	sor.u32 $0x1C03, s6;
	s12 =	sshrl.u32 s30, $0x3  }
0xf: {  	s8 =	sadd.s32 s10, s31;
	s9 =	sadd.s32 s11, s31;
	s12 =	sadd.s32 $0x280, s12  }
0x10: {  	s10 =	sadd.s32 s10, s12;
	s11 =	sadd.s32 s11, s12;
	s12 =	sadd.s32 $0x3E800, s13  }
0x11: {  	s13 =	smax.u32 s14, $0x1;
	s14 =	sshrl.u32 s15, $0x3;
	s15 =	simm.s32 $0x4  }
.LBB2_1:
0x12: {  	[spmem:s14], [sflag:s7] =	dma.local [hbm:s5], $0x2800  }
0x13: {  	[tilespmem:s3], [sflag:$0x4] =	stream.linear.gather [hbm4b:s8+s3], $0x1400, $0x38;
	[tilespmem:$0x1E800] =	vst v63  }
0x14: {  	_ =	swait.ge [sflag:s15], $0x1400  }
0x15: {  	[sflag:s15] =	ssyncset.done $0x0  }
0x16: {  	[sflag:s15] =	ssyncadd.s32 $0xFFFFEC00  }
0x17: {  	[tilespmem:s16], [sflag:$0x4] =	stream.linear.gather [hbm4b:s9+s3], $0x1400, $0x38;
	[tilespmem:$0x1E800] =	vst v63  }
0x18: {  	_ =	swait.ge [sflag:s15], $0x1400  }
0x19: {  	[sflag:s15] =	ssyncset.done $0x0  }
0x1a: {  	[sflag:s15] =	ssyncadd.s32 $0xFFFFEC00  }
0x1b: {  	_ =	swait.ge [sflag:s17], $0x2800  }
0x1c: {  	[sflag:s17] =	ssyncset.done $0x0  }
0x1d: {  	[sflag:s17] =	ssyncadd.s32 $0xFFFFD800  }
0x1e: {  	[bflag:$0x0] =	sbarrier.arrive $0xFFFF  }
0x1f: {  	[tilespmem:s19], [sflag:$0x1] =	stream.indirect.gather [hbm4b:s4+s18], $0x80, s3, s18, $0xb8;
	[tilespmem:$0x1E800] =	vst v63  }
0x20: {  	s28 =	simm.s32 $0x80  }
0x21: {  	[tilespmem:s20], [sflag:$0x2] =	stream.indirect.gather [hbm4b:s4+s18], $0x80, s28, s18, $0xb8;
	[tilespmem:$0x1E800] =	vst v63  }
0x22: {  	_ =	swait.ge [sflag:s21], $0x4000  }
0x23: {  	[sflag:s21] =	ssyncset.done $0x0  }
0x24: {  	s28 =	simm.s32 $0x1400;
	[sflag:s21] =	ssyncadd.s32 $0xFFFFC000  }
0x25: {  	[spmem:s2] =	stream.indirect.scatter.add.f32 [tilespmem:s19], [sflag:$0x4], $0x80, s28, s18, $0xb8;
	[tilespmem:$0x1E800] =	vst v63  }
0x26: {  	_ =	swait.ge [sflag:s15], $0x4000  }
0x27: {  	[sflag:s15] =	ssyncset.done $0x0  }
0x28: {  	s28 =	simm.s32 $0x100;
	[sflag:s15] =	ssyncadd.s32 $0xFFFFC000  }
0x29: {  	[tilespmem:s19], [sflag:$0x1] =	stream.indirect.gather [hbm4b:s4+s18], $0x80, s28, s18, $0xb8;
	[tilespmem:$0x1E800] =	vst v63  }
0x2a: {  	_ =	swait.ge [sflag:s22], $0x4000  }
0x2b: {  	[sflag:s22] =	ssyncset.done $0x0  }
0x2c: {  	s28 =	simm.s32 $0x1480;
	[sflag:s22] =	ssyncadd.s32 $0xFFFFC000  }
0x2d: {  	[spmem:s2] =	stream.indirect.scatter.add.f32 [tilespmem:s20], [sflag:$0x4], $0x80, s28, s18, $0xb8;
	[tilespmem:$0x1E800] =	vst v63  }
0x2e: {  	_ =	swait.ge [sflag:s15], $0x4000  }
0x2f: {  	s29 =	simm.s32 $0x800;
	s28 =	simm.s32 $0x100;
	[sflag:s15] =	ssyncset.done $0x0  }
.LBB2_2:
0x30: {  	s30 =	sadd.s32 $0x80, s28  }
0x31: {  	[sflag:s15] =	ssyncadd.s32 $0xFFFFC000;
	s31 =	smov.u32 s29;
	s0 =	sadd.s32 $0x400, s29  }
0x32: {  	[tilespmem:s20], [sflag:$0x2] =	stream.indirect.gather [hbm4b:s4+s18], $0x80, s30, s18, $0xb8;
	[tilespmem:$0x1E800] =	vst v63  }
0x33: {  	p0 =	sne.s32 s29, $0x4800;
	_ =	swait.ge [sflag:s21], $0x4000  }
0x34: {  	[sflag:s21] =	ssyncset.done $0x0  }
0x35: {  	s29 =	sadd.s32 $0x1400, s28;
	[sflag:s21] =	ssyncadd.s32 $0xFFFFC000  }
0x36: {  	[spmem:s2] =	stream.indirect.scatter.add.f32 [tilespmem:s19], [sflag:$0x4], $0x80, s29, s18, $0xb8;
	[tilespmem:$0x1E800] =	vst v63  }
0x37: {  	_ =	swait.ge [sflag:s15], $0x4000  }
0x38: {  	[sflag:s15] =	ssyncset.done $0x0  }
0x39: {  	s29 =	sadd.s32 $0x100, s28;
	[sflag:s15] =	ssyncadd.s32 $0xFFFFC000  }
0x3a: {  	[tilespmem:s19], [sflag:$0x1] =	stream.indirect.gather [hbm4b:s4+s18], $0x80, s29, s18, $0xb8;
	[tilespmem:$0x1E800] =	vst v63  }
0x3b: {  	_ =	swait.ge [sflag:s22], $0x4000  }
.Ltmp0:
0x3c: {  	[sflag:s22] =	ssyncset.done $0x0;
	(pc) =	sbr.rel @p0 .LBB2_2-.Ltmp0, $4  }
0x3d: {  	s28 =	sadd.s32 $0x1480, s28;
	[sflag:s22] =	ssyncadd.s32 $0xFFFFC000  }
0x3e: {  	[spmem:s2] =	stream.indirect.scatter.add.f32 [tilespmem:s20], [sflag:$0x4], $0x80, s28, s18, $0xb8;
	[tilespmem:$0x1E800] =	vst v63  }
0x3f: {  	_ =	swait.ge [sflag:s15], $0x4000  }
0x40: {  	s29 =	smov.u32 s0;
	s28 =	sshra.s32 s31, $0x2;
	[sflag:s15] =	ssyncset.done $0x0  }
0x41: {  	s0 =	sadd.s32 $0x80, s28;
	[sflag:s15] =	ssyncadd.s32 $0xFFFFC000  }
0x42: {  	[tilespmem:s20], [sflag:$0x2] =	stream.indirect.gather [hbm4b:s4+s18], $0x80, s0, s18, $0xb8;
	[tilespmem:$0x1E800] =	vst v63  }
0x43: {  	_ =	swait.ge [sflag:s21], $0x4000  }
0x44: {  	[sflag:s21] =	ssyncset.done $0x0  }
0x45: {  	s30 =	sadd.s32 $0x1400, s28;
	[sflag:s21] =	ssyncadd.s32 $0xFFFFC000  }
0x46: {  	[spmem:s2] =	stream.indirect.scatter.add.f32 [tilespmem:s19], [sflag:$0x4], $0x80, s30, s18, $0xb8;
	[tilespmem:$0x1E800] =	vst v63  }
0x47: {  	_ =	swait.ge [sflag:s15], $0x4000  }
0x48: {  	[sflag:s15] =	ssyncset.done $0x0  }
0x49: {  	s31 =	sadd.s32 $0x100, s28;
	[sflag:s15] =	ssyncadd.s32 $0xFFFFC000  }
0x4a: {  	[tilespmem:s19], [sflag:$0x1] =	stream.indirect.gather [hbm4b:s4+s18], $0x80, s31, s18, $0xb8;
	[tilespmem:$0x1E800] =	vst v63  }
0x4b: {  	_ =	swait.ge [sflag:s22], $0x4000  }
0x4c: {  	[sflag:s22] =	ssyncset.done $0x0  }
0x4d: {  	s30 =	sadd.s32 $0x1480, s28;
	[sflag:s22] =	ssyncadd.s32 $0xFFFFC000  }
0x4e: {  	[spmem:s2] =	stream.indirect.scatter.add.f32 [tilespmem:s20], [sflag:$0x4], $0x80, s30, s18, $0xb8;
	[tilespmem:$0x1E800] =	vst v63  }
0x4f: {  	_ =	swait.ge [sflag:s15], $0x4000  }
0x50: {  	[sflag:s15] =	ssyncset.done $0x0  }
0x51: {  	[sflag:s15] =	ssyncadd.s32 $0xFFFFC000  }
0x52: {  	[tilespmem:s20], [sflag:$0x2] =	stream.indirect.gather [hbm4b:s4+s18], $0x80, s23, s18, $0xb8;
	[tilespmem:$0x1E800] =	vst v63  }
0x53: {  	_ =	swait.ge [sflag:s21], $0x4000  }
0x54: {  	[sflag:s21] =	ssyncset.done $0x0  }
0x55: {  	[sflag:s21] =	ssyncadd.s32 $0xFFFFC000  }
0x56: {  	[spmem:s2] =	stream.indirect.scatter.add.f32 [tilespmem:s19], [sflag:$0x4], $0x80, s24, s18, $0xb8;
	[tilespmem:$0x1E800] =	vst v63  }
0x57: {  	_ =	swait.ge [sflag:s15], $0x4000  }
0x58: {  	[sflag:s15] =	ssyncset.done $0x0  }
0x59: {  	[sflag:s15] =	ssyncadd.s32 $0xFFFFC000  }
0x5a: {  	_ =	swait.ge [sflag:s22], $0x4000  }
0x5b: {  	[sflag:s22] =	ssyncset.done $0x0  }
0x5c: {  	[sflag:s22] =	ssyncadd.s32 $0xFFFFC000  }
0x5d: {  	[spmem:s2] =	stream.indirect.scatter.add.f32 [tilespmem:s20], [sflag:$0x4], $0x80, s25, s18, $0xb8;
	[tilespmem:$0x1E800] =	vst v63  }
0x5e: {  	_ =	swait.ge [sflag:s15], $0x4000  }
0x5f: {  	[sflag:s15] =	ssyncset.done $0x0  }
0x60: {  	s31 =	simm.s32 $0x0;
	[sflag:s15] =	ssyncadd.s32 $0xFFFFC000  }
0x61: {  	[tilespmem:s31], [sflag:$0x4] =	stream.linear.gather [hbm4b:s10+s31], $0x1400, $0x38;
	[tilespmem:$0x1E800] =	vst v63  }
0x62: {  	_ =	swait.ge [sflag:s15], $0x1400  }
0x63: {  	[sflag:s15] =	ssyncset.done $0x0  }
0x64: {  	[sflag:s15] =	ssyncadd.s32 $0xFFFFEC00  }
0x65: {  	[tilespmem:s16], [sflag:$0x4] =	stream.linear.gather [hbm4b:s11+s31], $0x1400, $0x38;
	[tilespmem:$0x1E800] =	vst v63  }
0x66: {  	_ =	swait.ge [sflag:s15], $0x1400  }
0x67: {  	[sflag:s15] =	ssyncset.done $0x0  }
0x68: {  	[sflag:s15] =	ssyncadd.s32 $0xFFFFEC00  }
0x69: {  	[tilespmem:s19], [sflag:$0x1] =	stream.indirect.gather [hbm4b:s4+s18], $0x80, s31, s18, $0xb8;
	[tilespmem:$0x1E800] =	vst v63  }
0x6a: {  	s30 =	simm.s32 $0x80  }
0x6b: {  	[tilespmem:s20], [sflag:$0x2] =	stream.indirect.gather [hbm4b:s4+s18], $0x80, s30, s18, $0xb8;
	[tilespmem:$0x1E800] =	vst v63  }
0x6c: {  	_ =	swait.ge [sflag:s21], $0x4000  }
0x6d: {  	[sflag:s21] =	ssyncset.done $0x0  }
0x6e: {  	s31 =	simm.s32 $0x1400;
	[sflag:s21] =	ssyncadd.s32 $0xFFFFC000  }
0x6f: {  	[spmem:s2] =	stream.indirect.scatter.add.f32 [tilespmem:s19], [sflag:$0x4], $0x80, s31, s18, $0xb8;
	[tilespmem:$0x1E800] =	vst v63  }
0x70: {  	_ =	swait.ge [sflag:s15], $0x4000  }
0x71: {  	[sflag:s15] =	ssyncset.done $0x0  }
0x72: {  	s30 =	simm.s32 $0x100;
	[sflag:s15] =	ssyncadd.s32 $0xFFFFC000  }
0x73: {  	[tilespmem:s19], [sflag:$0x1] =	stream.indirect.gather [hbm4b:s4+s18], $0x80, s30, s18, $0xb8;
	[tilespmem:$0x1E800] =	vst v63  }
0x74: {  	_ =	swait.ge [sflag:s22], $0x4000  }
0x75: {  	[sflag:s22] =	ssyncset.done $0x0  }
0x76: {  	s31 =	simm.s32 $0x1480;
	[sflag:s22] =	ssyncadd.s32 $0xFFFFC000  }
0x77: {  	[spmem:s2] =	stream.indirect.scatter.add.f32 [tilespmem:s20], [sflag:$0x4], $0x80, s31, s18, $0xb8;
	[tilespmem:$0x1E800] =	vst v63  }
0x78: {  	_ =	swait.ge [sflag:s15], $0x4000  }
0x79: {  	s29 =	simm.s32 $0x800;
	s28 =	simm.s32 $0x100;
	[sflag:s15] =	ssyncset.done $0x0  }
.LBB2_4:
0x7a: {  	s0 =	sadd.s32 $0x80, s28  }
0x7b: {  	[sflag:s15] =	ssyncadd.s32 $0xFFFFC000;
	s30 =	smov.u32 s29;
	s31 =	sadd.s32 $0x400, s29  }
0x7c: {  	[tilespmem:s20], [sflag:$0x2] =	stream.indirect.gather [hbm4b:s4+s18], $0x80, s0, s18, $0xb8;
	[tilespmem:$0x1E800] =	vst v63  }
0x7d: {  	p0 =	sne.s32 s29, $0x4800;
	_ =	swait.ge [sflag:s21], $0x4000  }
0x7e: {  	[sflag:s21] =	ssyncset.done $0x0  }
0x7f: {  	s0 =	sadd.s32 $0x1400, s28;
	[sflag:s21] =	ssyncadd.s32 $0xFFFFC000  }
0x80: {  	[spmem:s2] =	stream.indirect.scatter.add.f32 [tilespmem:s19], [sflag:$0x4], $0x80, s0, s18, $0xb8;
	[tilespmem:$0x1E800] =	vst v63  }
0x81: {  	_ =	swait.ge [sflag:s15], $0x4000  }
0x82: {  	[sflag:s15] =	ssyncset.done $0x0  }
0x83: {  	s0 =	sadd.s32 $0x100, s28;
	[sflag:s15] =	ssyncadd.s32 $0xFFFFC000  }
0x84: {  	[tilespmem:s19], [sflag:$0x1] =	stream.indirect.gather [hbm4b:s4+s18], $0x80, s0, s18, $0xb8;
	[tilespmem:$0x1E800] =	vst v63  }
0x85: {  	_ =	swait.ge [sflag:s22], $0x4000  }
.Ltmp1:
0x86: {  	[sflag:s22] =	ssyncset.done $0x0;
	(pc) =	sbr.rel @p0 .LBB2_4-.Ltmp1, $4  }
0x87: {  	s0 =	sadd.s32 $0x1480, s28;
	[sflag:s22] =	ssyncadd.s32 $0xFFFFC000  }
0x88: {  	[spmem:s2] =	stream.indirect.scatter.add.f32 [tilespmem:s20], [sflag:$0x4], $0x80, s0, s18, $0xb8;
	[tilespmem:$0x1E800] =	vst v63  }
0x89: {  	_ =	swait.ge [sflag:s15], $0x4000  }
0x8a: {  	s29 =	smov.u32 s31;
	s28 =	sshra.s32 s30, $0x2;
	[sflag:s15] =	ssyncset.done $0x0  }
0x8b: {  	s0 =	sadd.s32 $0x80, s28;
	[sflag:s15] =	ssyncadd.s32 $0xFFFFC000  }
0x8c: {  	[tilespmem:s20], [sflag:$0x2] =	stream.indirect.gather [hbm4b:s4+s18], $0x80, s0, s18, $0xb8;
	[tilespmem:$0x1E800] =	vst v63  }
0x8d: {  	_ =	swait.ge [sflag:s21], $0x4000  }
0x8e: {  	[sflag:s21] =	ssyncset.done $0x0  }
0x8f: {  	s31 =	sadd.s32 $0x1400, s28;
	[sflag:s21] =	ssyncadd.s32 $0xFFFFC000  }
0x90: {  	[spmem:s2] =	stream.indirect.scatter.add.f32 [tilespmem:s19], [sflag:$0x4], $0x80, s31, s18, $0xb8;
	[tilespmem:$0x1E800] =	vst v63  }
0x91: {  	_ =	swait.ge [sflag:s15], $0x4000  }
0x92: {  	[sflag:s15] =	ssyncset.done $0x0  }
0x93: {  	s29 =	sadd.s32 $0x100, s28;
	[sflag:s15] =	ssyncadd.s32 $0xFFFFC000  }
0x94: {  	[tilespmem:s19], [sflag:$0x1] =	stream.indirect.gather [hbm4b:s4+s18], $0x80, s29, s18, $0xb8;
	[tilespmem:$0x1E800] =	vst v63  }
0x95: {  	_ =	swait.ge [sflag:s22], $0x4000  }
0x96: {  	[sflag:s22] =	ssyncset.done $0x0  }
0x97: {  	s30 =	sadd.s32 $0x1480, s28;
	[sflag:s22] =	ssyncadd.s32 $0xFFFFC000  }
0x98: {  	[spmem:s2] =	stream.indirect.scatter.add.f32 [tilespmem:s20], [sflag:$0x4], $0x80, s30, s18, $0xb8;
	[tilespmem:$0x1E800] =	vst v63  }
0x99: {  	_ =	swait.ge [sflag:s15], $0x4000  }
0x9a: {  	[sflag:s15] =	ssyncset.done $0x0  }
0x9b: {  	[sflag:s15] =	ssyncadd.s32 $0xFFFFC000  }
0x9c: {  	[tilespmem:s20], [sflag:$0x2] =	stream.indirect.gather [hbm4b:s4+s18], $0x80, s23, s18, $0xb8;
	[tilespmem:$0x1E800] =	vst v63  }
0x9d: {  	_ =	swait.ge [sflag:s21], $0x4000  }
0x9e: {  	[sflag:s21] =	ssyncset.done $0x0  }
0x9f: {  	[sflag:s21] =	ssyncadd.s32 $0xFFFFC000  }
0xa0: {  	[spmem:s2] =	stream.indirect.scatter.add.f32 [tilespmem:s19], [sflag:$0x4], $0x80, s24, s18, $0xb8;
	[tilespmem:$0x1E800] =	vst v63  }
0xa1: {  	_ =	swait.ge [sflag:s15], $0x4000  }
0xa2: {  	[sflag:s15] =	ssyncset.done $0x0  }
0xa3: {  	[sflag:s15] =	ssyncadd.s32 $0xFFFFC000  }
0xa4: {  	_ =	swait.ge [sflag:s22], $0x4000  }
0xa5: {  	[sflag:s22] =	ssyncset.done $0x0  }
0xa6: {  	[sflag:s22] =	ssyncadd.s32 $0xFFFFC000  }
0xa7: {  	[spmem:s2] =	stream.indirect.scatter.add.f32 [tilespmem:s20], [sflag:$0x4], $0x80, s25, s18, $0xb8;
	[tilespmem:$0x1E800] =	vst v63  }
0xa8: {  	_ =	swait.ge [sflag:s15], $0x4000  }
0xa9: {  	s26 =	sadd.s32 $0x1, s26;
	[sflag:s15] =	ssyncset.done $0x0  }
0xaa: {  	p0 =	sne.s32 s26, s13;
	[sflag:s15] =	ssyncadd.s32 $0xFFFFC000  }
.Ltmp2:
0xab: {  	s31 =	sor.u32 $0x1C04, s6;
	[bflag:$0x0] =	sbarrier.arrive $0xFFFF;
	(pc) =	sbr.rel @p0 .LBB2_1-.Ltmp2, $4  }
0xac: {  	[hbm:s12], [sflag:s31] =	dma.local [spmem:s14], $0x2800  }
0xad: {  	_ =	swait.ge [sflag:s15], $0x2800  }
0xae: {  	[sflag:s15] =	ssyncset.done $0x0  }
0xaf: {  	[sflag:s15] =	ssyncadd.s32 $0xFFFFD800  }
0xb0: {  	_ =	sfence.sel $0x180000  }
0xb1: {  	[bflag:$0x0] =	sbarrier.arrive $0xFFFF  }
0xb2: {  	_ =	strace $0x9000004A  }
0xb3: {  	[bflag:$0x2] =	sbarrier.arrive $0xFFFF  }
0xb4: {  	p0 =	sne.s32 s1, $0x0;
	s0 =	rddreg [dreg:$0x2]  }
0xb5: {  	s0 =	sadd.s32 @!p0 $0x100000, s0  }
0xb6: {  	[sflag:s0] =	ssyncadd.tile.s32 @!p0 $0x1;
	_ =	shalt  }
.Lfunc_end2:
_tile_overlayer_lowered:
.L_overlay_start_2:
0xb7: {  	(tag) =	ssettag $0x2  }
0xb8: {  	s0 =	rddreg [dreg:$0x0];
	s2 =	stileid.u32  }
0xb9: {  	s1 =	rddreg [dreg:$0x1];
	p0 =	sne.s32 s2, $0x0  }
0xba: {  	s3 =	rddreg [dreg:$0x2];
	[bflag:$0x3] =	sbarrier.arrive $0xFFFF;
	s2 =	simm.s32 @!p0 $0x1C04  }
0xbb: {  	[timem:s3], [sflag:s2] =	dma.local @!p0 [hbm:s0], s1  }
0xbc: {  	s0 =	simm.s32 @!p0 $0x4  }
0xbd: {  	_ =	swait.ge @!p0 [sflag:s0], s1  }
0xbe: {  	s1 =	ssub.s32 @!p0 $0x0, s1;
	[sflag:s0] =	ssyncset.done @!p0 $0x0  }
0xbf: {  	[sflag:s0] =	ssyncadd.s32 @!p0 s1  }
0xc0: {  	[bflag:$0x3] =	sbarrier.arrive $0xFFFF  }
0xc1: {  	_ =	shalt  }

// kernel: kernel.14.cloned.1.call-start
scs
__scs_entry_jumppad:
0x0: {  	(pc) =	sbr.rel $0x88, $3  }
0x1: {  	(tag) =	ssettag $0x0;
	lr =	simm.s32 $0x1  }
0x2: {  	[smem:$0x3F99] =	sst lr;
	_ =	strace $0xD0000000  }
0x3: {  	_ = 	snop  }
0x4: {  	_ = 	snop  }
0x5: {  	_ = 	snop  }
0x6: {  	_ = 	snop  }
0x7: {  	_ = 	snop  }
__scs_overlays_trampoline_lowered:
0x8: {  	[smem:$0x3FA8] =	sst s0  }
0x9: {  	[smem:$0x3FA9] =	sst s1  }
0xa: {  	[smem:$0x3FAA] =	sst s2  }
0xb: {  	[smem:$0x3FAB] =	sst s3  }
0xc: {  	[smem:$0x3FAC] =	sst s4  }
0xd: {  	[smem:$0x3FAD] =	sst s5  }
0xe: {  	[smem:$0x3FAE] =	sst s6  }
0xf: {  	[smem:$0x3FAF] =	sst s7  }
0x10: {  	[smem:$0x3FB0] =	sst s8  }
0x11: {  	[smem:$0x3FB1] =	sst s9;
	s0 =	simm.s32 @!p0 $0x0  }
0x12: {  	s1 =	sld [smem:$0x3F97];
	s0 =	simm.s32 @p0 $0x1  }
0x13: {  	[smem:$0x3FB2] =	sst s0;
	s0 =	simm.s32 @!p1 $0x0  }
0x14: {  	s2 =	sld [smem:$0x3F96];
	s0 =	simm.s32 @p1 $0x1  }
0x15: {  	[smem:$0x3FB3] =	sst s0;
	s0 =	simm.s32 @!p2 $0x0  }
0x16: {  	s3 =	sld [smem:$0x3FDB];
	s0 =	simm.s32 @p2 $0x1  }
0x17: {  	s4 =	simm.s32 $0x1BF5;
	[smem:$0x3FB5] =	sst s0  }
0x18: {  	s0 =	sld [smem:$0x3F98];
	_ =	swait.ge [sflag:s4], $0x0  }
0x19: {  	s7 =	sld [smem:$0x3F99]  }
0x1a: {  	s8 =	sadd.s32 $0xFFFFE003, lr  }
0x1b: {  	s9 =	sadd.s32 $0xFFFFFEF7, lr;
	s5 =	simm.s32 $0xFFFFFFFF;
	p2 =	slt.u32 s8, $0xFFFFF086  }
0x1c: {  	p1 =	slt.u32 s9, $0xF7A;
	s5 =	simm.s32 @!p2 $0x0  }
0x1d: {  	s5 =	simm.s32 @p1 $0x1;
	p0 =	seq.s32 s7, s2  }
0x1e: {  	s7 =	smul.u32 @!p0 $0xF7A, s2;
	p2 =	seq.s32 @!p0 s5, $0x0  }
0x1f: {  	s9 =	smul.u32 $0xF7A, s1;
	s8 =	simm.s32 @!p0 $0x1BF5;
	p2 =	por !p2, p0  }
0x20: {  	[sflag:s8] =	ssyncset.s32 @!p0 $0xFFFFF086;
	s6 =	sadd.s32 @!p0 s3, s7;
	s7 =	simm.s32 @!p0 $0x108  }
0x21: {  	s3 =	sadd.s32 s3, s9;
	s6 =	sadd.s32 @!p0 $0x88, s6;
	s7 =	simm.s32 @p2 $0x1082  }
0x22: {  	[simem:s7], [sflag:s8] =	dma.local @!p0 [hbm:s6], $0xF7A  }
0x23: {  	s9 =	sor.u32 $0xD0000000, s2;
	s6 =	simm.s32 $0x108;
	_ =	swait.ge @!p0 [sflag:s8], $0x0  }
0x24: {  	s3 =	sadd.s32 $0x88, s3;
	s6 =	simm.s32 @!p1 $0x1082;
	[sflag:s4] =	ssyncset.s32 $0xFFFFF086  }
0x25: {  	[simem:s6], [sflag:s4] =	dma.local [hbm:s3], $0xF7A  }
0x26: {  	[smem:$0x3F99] =	sst s1;
	(tag) =	ssettag s2;
	_ =	strace s9  }
0x27: {  	s1 =	sld [smem:$0x3FA9]  }
0x28: {  	s2 =	sld [smem:$0x3FAA]  }
0x29: {  	s4 =	sld [smem:$0x3FAC]  }
0x2a: {  	p0 =	seq.s32 s5, $0x0;
	s5 =	sld [smem:$0x3FAD]  }
0x2b: {  	s6 =	sld [smem:$0x3FAE]  }
0x2c: {  	s7 =	sld [smem:$0x3FAF]  }
0x2d: {  	s3 =	simm.s32 $0x108;
	s8 =	sld [smem:$0x3FB0]  }
0x2e: {  	s3 =	simm.s32 @!p0 $0x1082;
	s9 =	sld [smem:$0x3FB1]  }
0x2f: {  	lr =	sadd.s32 s0, s3;
	s0 =	sld [smem:$0x3FA8]  }
0x30: {  	s3 =	sld [smem:$0x3FAB]  }
0x31: {  	[smem:$0x3FB4] =	sst s10  }
0x32: {  	s10 =	sld [smem:$0x3FB2];
	_ =	sdelay $0x3  }
0x33: {  	p0 =	seq.s32 s10, $0x1;
	s10 =	sld [smem:$0x3FB4];
	_ =	sdelay $0x3  }
0x34: {  	[smem:$0x3FB4] =	sst s10  }
0x35: {  	s10 =	sld [smem:$0x3FB3];
	_ =	sdelay $0x3  }
0x36: {  	p1 =	seq.s32 s10, $0x1;
	s10 =	sld [smem:$0x3FB4];
	_ =	sdelay $0x3  }
0x37: {  	[smem:$0x3FB4] =	sst s10  }
0x38: {  	s10 =	sld [smem:$0x3FB5]  }
0x39: {  	_ = 	snop;
	(pc) =	sbr.ind lr, $3  }
0x3a: {  	_ = 	snop  }
0x3b: {  	_ = 	snop  }
0x3c: {  	p2 =	seq.s32 s10, $0x1;
	s10 =	sld [smem:$0x3FB4]  }
0x3d: {  	_ =	shalt  }
0x3e: {  	_ =	shalt  }
0x3f: {  	_ =	shalt  }
0x40: {  	_ =	shalt  }
0x41: {  	_ =	shalt  }
0x42: {  	_ =	shalt  }
0x43: {  	_ =	shalt  }
0x44: {  	_ =	shalt  }
0x45: {  	_ =	shalt  }
0x46: {  	_ =	shalt  }
0x47: {  	_ =	shalt  }
0x48: {  	_ =	shalt  }
0x49: {  	_ =	shalt  }
0x4a: {  	_ =	shalt  }
0x4b: {  	_ =	shalt  }
0x4c: {  	_ =	shalt  }
0x4d: {  	_ =	shalt  }
0x4e: {  	_ =	shalt  }
0x4f: {  	_ =	shalt  }
0x50: {  	_ =	shalt  }
0x51: {  	_ =	shalt  }
0x52: {  	_ =	shalt  }
0x53: {  	_ =	shalt  }
0x54: {  	_ =	shalt  }
0x55: {  	_ =	shalt  }
0x56: {  	_ =	shalt  }
0x57: {  	_ =	shalt  }
0x58: {  	_ =	shalt  }
0x59: {  	_ =	shalt  }
0x5a: {  	_ =	shalt  }
0x5b: {  	_ =	shalt  }
0x5c: {  	_ =	shalt  }
0x5d: {  	_ =	shalt  }
0x5e: {  	_ =	shalt  }
0x5f: {  	_ =	shalt  }
0x60: {  	_ =	shalt  }
0x61: {  	_ =	shalt  }
0x62: {  	_ =	shalt  }
0x63: {  	_ =	shalt  }
0x64: {  	_ =	shalt  }
0x65: {  	_ =	shalt  }
0x66: {  	_ =	shalt  }
0x67: {  	_ =	shalt  }
0x68: {  	_ =	shalt  }
0x69: {  	_ =	shalt  }
0x6a: {  	_ =	shalt  }
0x6b: {  	_ =	shalt  }
0x6c: {  	_ =	shalt  }
0x6d: {  	_ =	shalt  }
0x6e: {  	_ =	shalt  }
0x6f: {  	_ =	shalt  }
0x70: {  	_ =	shalt  }
0x71: {  	_ =	shalt  }
0x72: {  	_ =	shalt  }
0x73: {  	_ =	shalt  }
0x74: {  	_ =	shalt  }
0x75: {  	_ =	shalt  }
0x76: {  	_ =	shalt  }
0x77: {  	_ =	shalt  }
0x78: {  	_ =	shalt  }
0x79: {  	_ =	shalt  }
0x7a: {  	_ =	shalt  }
0x7b: {  	_ =	shalt  }
0x7c: {  	_ =	shalt  }
0x7d: {  	_ =	shalt  }
0x7e: {  	_ =	shalt  }
0x7f: {  	_ =	shalt  }
0x80: {  	_ =	shalt  }
0x81: {  	_ =	shalt  }
0x82: {  	_ =	shalt  }
0x83: {  	_ =	shalt  }
0x84: {  	_ =	shalt  }
0x85: {  	_ =	shalt  }
0x86: {  	_ =	shalt  }
0x87: {  	_ =	shalt  }
.Lfunc_end0:
.L_simem_size_0:
called_computation.2_lowered:
.L_overlay_start_0:
0x88: {  	s2 =	sld [smem:$0x3FD9]  }
0x89: {  	s3 =	sld [smem:$0x3FFE];
	_ =	sdelay $0x1  }
0x8a: {  	s1 =	srdreg.scid  }
0x8b: {  	s0 =	sand.u32 $0x1, s1  }
0x8c: {  	s16 =	sshll.u32 s0, $0xA;
	s2 =	sadd.s32 s3, s2  }
0x8d: {  	s2 =	sadd.s32 s2, s16  }
0x8e: {  	[smem:$0x3FC0] =	sst s2  }
0x8f: {  	_ = 	snop  }
0x90: {  	(tm) =	ssettm $0x1  }
0x91: {  	s17 =	sld [smem:$0x3FFB];
	_ =	sdelay $0x3  }
0x92: {  	_ =	strace s17  }
0x93: {  	s2 =	sld [smem:$0x3FFC];
	_ =	sdelay $0x3  }
0x94: {  	_ =	strace s2  }
0x95: {  	s2 =	sld [smem:$0x3FFD];
	_ =	sdelay $0x3  }
0x96: {  	_ =	strace s2  }
0x97: {  	_ =	strace $0x8FFFFFFF  }
0x98: {  	s18 =	sld [smem:$0x3FDB];
	_ =	sdelay $0x1  }
0x99: {  	s19 =	simm.s32 $_scs_section_size  }
0x9a: {  	s4 =	simm.s32 $_size__tile_overlayer_lowered;
	s5 =	simm.s32 $_tile_overlayer_lowered  }
0x9b: {  	s22 =	simm.s32 $0x1BFF;
	s21 =	sshll.u32 s5, $0x1;
	s2 =	sadd.s32 s19, s18  }
0x9c: {  	s6 =	simm.s32 $0x0;
	s20 =	sshll.u32 s4, $0x1;
	s4 =	sadd.s32 s21, s2  }
0x9d: {  	[timem:s6], [sflag:s22] =	dma.local [hbm:s4], s20  }
0x9e: {  	_ =	swait.ge [sflag:s22], s20  }
0x9f: {  	s3 =	ssub.s32 $0x0, s20;
	[sflag:s22] =	ssyncset.done $0x0  }
0xa0: {  	[sflag:s22] =	ssyncadd.s32 s3;
	_ =	sdelay $0x1  }
0xa1: {  	s23 =	simm.s32 $0x1B8B  }
0xa2: {  	_ =	swait.ge [sflag:s23], $0x1  }
0xa3: {  	[sflag:s23] =	ssyncset.done $0x0  }
0xa4: {  	s25 =	simm.s32 $0x1B8E;
	s24 =	sld [smem:$0x3FFE];
	[sflag:s23] =	ssyncadd.s32 $0xFFFFFFFF  }
0xa5: {  	s26 =	simm.s32 $execute0_lowered;
	[smem:$0x3FD2] =	sst s25  }
0xa6: {  	s4 =	sshll.u32 s26, $0x1;
	_ =	strace $0x8000004C;
	[dreg:$0x1] =	wrdreg $0xFFFFFFFF  }
0xa7: {  	s28 =	simm.s32 $_size_execute0_lowered;
	s2 =	sadd.s32 s2, s4;
	[dreg:$0x0] =	wrdreg $0x0  }
0xa8: {  	s4 =	sshll.u32 s28, $0x1;
	[dreg:$0x2] =	wrdreg s2  }
0xa9: {  	[dreg:$0x3] =	wrdreg s4  }
0xaa: {  	[dreg:$0x4] =	wrdreg $0xC0  }
0xab: {  	_ =	task [dreg:s6], $0x5FFFF  }
0xac: {  	[dreg:$0x1] =	wrdreg $0xFFFFFFFF  }
0xad: {  	[dreg:$0x0] =	wrdreg $0x60  }
0xae: {  	[dreg:$0x2] =	wrdreg s24  }
0xaf: {  	[dreg:$0x3] =	wrdreg $0xA8000  }
0xb0: {  	[dreg:$0x4] =	wrdreg $0x9  }
0xb1: {  	_ =	task.clear_ibuf [dreg:s6], $0x5FFFF;
	_ =	strace $0x9000004C  }
0xb2: {  	s29 =	simm.s32 $0x9;
	_ =	strace $0x8000004E  }
0xb3: {  	_ =	swait.ge [sflag:s29], $0x1  }
0xb4: {  	[sflag:s29] =	ssyncadd.s32 $0xFFFFFFFF  }
0xb5: {  	_ =	strace $0x9000004E  }
0xb6: {  	_ =	sfence  }
0xb7: {  	s30 =	sld [smem:$0x0];
	_ =	sdelay $0x2  }
0xb8: {  	s31 =	sshll.u32 s1, $0xD;
	s1 =	sshrl.u32 s1, $0x2  }
0xb9: {  	s3 =	sand.u32 $0x4000, s31;
	s1 =	sadd.s32 s1, s30  }
0xba: {  	s0 =	sor.u32 s3, s0;
	s1 =	sshll.u32 s1, $0x11  }
0xbb: {  	s0 =	sor.u32 s1, s0  }
0xbc: {  	s0 =	sadd.s32 $0x8F2B, s0  }
0xbd: {  	[sflag:s0] =	ssyncadd.remote.s32 $0x1  }
0xbe: {  	_ =	sfence.sel $0xFFFF  }
0xbf: {  	[dreg:$0x0] =	wrdreg $0xFFFFFFFF;
	(pc) =	sbr.abs _section_cstart, $3  }
0xc0: {  	[dreg:$0x1] =	wrdreg $0xFFFFFFFF  }
0xc1: {  	_ =	task.clear_ibuf [dreg:s6], $0x2FFFF;
	_ =	strace $0x9FFFFFFF  }
0xc2: {  	(tm) =	ssettm $0x7FFFFFFF  }
0xc3: {  	_ =	shalt  }
tec
execute0_lowered:
.L_overlay_start_1:
0x0: {  	(tag) =	ssettag $0x1  }
0x1: {  	s5 =	rddreg [dreg:$0x0]  }
0x2: {  	s2 =	rddreg [dreg:$0x1];
	s3 =	simm.s32 $0x0;
	s4 =	srdreg.scid  }
0x3: {  	s1 =	stileid.u32;
	s16 =	simm.s32 $0x1400;
	s17 =	simm.s32 $0x3  }
0x4: {  	s18 =	simm.s32 $0x80;
	s19 =	simm.s32 $0x2800;
	s20 =	simm.s32 $0x6800  }
0x5: {  	s21 =	simm.s32 $0x1;
	s22 =	simm.s32 $0x2;
	s23 =	simm.s32 $0x1380  }
0x6: {  	s24 =	simm.s32 $0x2700;
	[smem:$0x7FF] =	sst s3;
	s6 =	sand.u32 $0x1, s4  }
0x7: {  	s7 =	smul.u32 $0x2800, s1;
	s4 =	sadd.s32 $0x16800, s5;
	s10 =	sadd.s32 $0x2800, s5  }
0x8: {  	s11 =	sadd.s32 $0xC800, s5;
	s12 =	smul.u32 $0x50000, s1;
	_ =	strace $0x8000004D  }
0x9: {  	s8 =	smul.u32 $0x28000, s6;
	s9 =	sshll.u32 s6, $0x4;
	s25 =	ssub.s32 $0x2, s6  }
0xa: {  	s6 =	sshll.u32 s1, $0x6;
	s26 =	sor.u32 s1, s9;
	s28 =	sshrl.u32 s25, $0x1  }
0xb: {  	s29 =	sshrl.u32 s12, $0x2;
	s8 =	sadd.s32 s7, s8;
	s30 =	smul.u32 $0x2800, s26  }
0xc: {  	s14 =	ssub.s32 s25, s28;
	s15 =	sadd.s32 s29, s2;
	s31 =	smul.u32 $0x500, s26  }
0xd: {  	s25 =	simm.s32 $0x2780;
	s26 =	simm.s32 $0x0;
	s13 =	sadd.s32 s8, s5  }
0xe: {  	s5 =	sadd.s32 s4, s7;
	s7 =	sor.u32 $0x1C03, s6;
	s12 =	sshrl.u32 s30, $0x3  }
0xf: {  	s8 =	sadd.s32 s10, s31;
	s9 =	sadd.s32 s11, s31;
	s12 =	sadd.s32 $0x280, s12  }
0x10: {  	s10 =	sadd.s32 s10, s12;
	s11 =	sadd.s32 s11, s12;
	s12 =	sadd.s32 $0x3E800, s13  }
0x11: {  	s13 =	smax.u32 s14, $0x1;
	s14 =	sshrl.u32 s15, $0x3;
	s15 =	simm.s32 $0x4  }
.LBB2_1:
0x12: {  	[spmem:s14], [sflag:s7] =	dma.local [hbm:s5], $0x2800  }
0x13: {  	[tilespmem:s3], [sflag:$0x4] =	stream.linear.gather [hbm4b:s8+s3], $0x1400, $0x38;
	[tilespmem:$0x1E800] =	vst v63  }
0x14: {  	_ =	swait.ge [sflag:s15], $0x1400  }
0x15: {  	[sflag:s15] =	ssyncset.done $0x0  }
0x16: {  	[sflag:s15] =	ssyncadd.s32 $0xFFFFEC00  }
0x17: {  	[tilespmem:s16], [sflag:$0x4] =	stream.linear.gather [hbm4b:s9+s3], $0x1400, $0x38;
	[tilespmem:$0x1E800] =	vst v63  }
0x18: {  	_ =	swait.ge [sflag:s15], $0x1400  }
0x19: {  	[sflag:s15] =	ssyncset.done $0x0  }
0x1a: {  	[sflag:s15] =	ssyncadd.s32 $0xFFFFEC00  }
0x1b: {  	_ =	swait.ge [sflag:s17], $0x2800  }
0x1c: {  	[sflag:s17] =	ssyncset.done $0x0  }
0x1d: {  	[sflag:s17] =	ssyncadd.s32 $0xFFFFD800  }
0x1e: {  	[bflag:$0x0] =	sbarrier.arrive $0xFFFF  }
0x1f: {  	[tilespmem:s19], [sflag:$0x1] =	stream.indirect.gather [hbm4b:s4+s18], $0x80, s3, s18, $0xb8;
	[tilespmem:$0x1E800] =	vst v63  }
0x20: {  	s28 =	simm.s32 $0x80  }
0x21: {  	[tilespmem:s20], [sflag:$0x2] =	stream.indirect.gather [hbm4b:s4+s18], $0x80, s28, s18, $0xb8;
	[tilespmem:$0x1E800] =	vst v63  }
0x22: {  	_ =	swait.ge [sflag:s21], $0x4000  }
0x23: {  	[sflag:s21] =	ssyncset.done $0x0  }
0x24: {  	s28 =	simm.s32 $0x1400;
	[sflag:s21] =	ssyncadd.s32 $0xFFFFC000  }
0x25: {  	[spmem:s2] =	stream.indirect.scatter.add.f32 [tilespmem:s19], [sflag:$0x4], $0x80, s28, s18, $0xb8;
	[tilespmem:$0x1E800] =	vst v63  }
0x26: {  	_ =	swait.ge [sflag:s15], $0x4000  }
0x27: {  	[sflag:s15] =	ssyncset.done $0x0  }
0x28: {  	s28 =	simm.s32 $0x100;
	[sflag:s15] =	ssyncadd.s32 $0xFFFFC000  }
0x29: {  	[tilespmem:s19], [sflag:$0x1] =	stream.indirect.gather [hbm4b:s4+s18], $0x80, s28, s18, $0xb8;
	[tilespmem:$0x1E800] =	vst v63  }
0x2a: {  	_ =	swait.ge [sflag:s22], $0x4000  }
0x2b: {  	[sflag:s22] =	ssyncset.done $0x0  }
0x2c: {  	s28 =	simm.s32 $0x1480;
	[sflag:s22] =	ssyncadd.s32 $0xFFFFC000  }
0x2d: {  	[spmem:s2] =	stream.indirect.scatter.add.f32 [tilespmem:s20], [sflag:$0x4], $0x80, s28, s18, $0xb8;
	[tilespmem:$0x1E800] =	vst v63  }
0x2e: {  	_ =	swait.ge [sflag:s15], $0x4000  }
0x2f: {  	s29 =	simm.s32 $0x800;
	s28 =	simm.s32 $0x100;
	[sflag:s15] =	ssyncset.done $0x0  }
.LBB2_2:
0x30: {  	s30 =	sadd.s32 $0x80, s28  }
0x31: {  	[sflag:s15] =	ssyncadd.s32 $0xFFFFC000;
	s31 =	smov.u32 s29;
	s0 =	sadd.s32 $0x400, s29  }
0x32: {  	[tilespmem:s20], [sflag:$0x2] =	stream.indirect.gather [hbm4b:s4+s18], $0x80, s30, s18, $0xb8;
	[tilespmem:$0x1E800] =	vst v63  }
0x33: {  	p0 =	sne.s32 s29, $0x4800;
	_ =	swait.ge [sflag:s21], $0x4000  }
0x34: {  	[sflag:s21] =	ssyncset.done $0x0  }
0x35: {  	s29 =	sadd.s32 $0x1400, s28;
	[sflag:s21] =	ssyncadd.s32 $0xFFFFC000  }
0x36: {  	[spmem:s2] =	stream.indirect.scatter.add.f32 [tilespmem:s19], [sflag:$0x4], $0x80, s29, s18, $0xb8;
	[tilespmem:$0x1E800] =	vst v63  }
0x37: {  	_ =	swait.ge [sflag:s15], $0x4000  }
0x38: {  	[sflag:s15] =	ssyncset.done $0x0  }
0x39: {  	s29 =	sadd.s32 $0x100, s28;
	[sflag:s15] =	ssyncadd.s32 $0xFFFFC000  }
0x3a: {  	[tilespmem:s19], [sflag:$0x1] =	stream.indirect.gather [hbm4b:s4+s18], $0x80, s29, s18, $0xb8;
	[tilespmem:$0x1E800] =	vst v63  }
0x3b: {  	_ =	swait.ge [sflag:s22], $0x4000  }
.Ltmp0:
0x3c: {  	[sflag:s22] =	ssyncset.done $0x0;
	(pc) =	sbr.rel @p0 .LBB2_2-.Ltmp0, $4  }
0x3d: {  	s28 =	sadd.s32 $0x1480, s28;
	[sflag:s22] =	ssyncadd.s32 $0xFFFFC000  }
0x3e: {  	[spmem:s2] =	stream.indirect.scatter.add.f32 [tilespmem:s20], [sflag:$0x4], $0x80, s28, s18, $0xb8;
	[tilespmem:$0x1E800] =	vst v63  }
0x3f: {  	_ =	swait.ge [sflag:s15], $0x4000  }
0x40: {  	s29 =	smov.u32 s0;
	s28 =	sshra.s32 s31, $0x2;
	[sflag:s15] =	ssyncset.done $0x0  }
0x41: {  	s0 =	sadd.s32 $0x80, s28;
	[sflag:s15] =	ssyncadd.s32 $0xFFFFC000  }
0x42: {  	[tilespmem:s20], [sflag:$0x2] =	stream.indirect.gather [hbm4b:s4+s18], $0x80, s0, s18, $0xb8;
	[tilespmem:$0x1E800] =	vst v63  }
0x43: {  	_ =	swait.ge [sflag:s21], $0x4000  }
0x44: {  	[sflag:s21] =	ssyncset.done $0x0  }
0x45: {  	s30 =	sadd.s32 $0x1400, s28;
	[sflag:s21] =	ssyncadd.s32 $0xFFFFC000  }
0x46: {  	[spmem:s2] =	stream.indirect.scatter.add.f32 [tilespmem:s19], [sflag:$0x4], $0x80, s30, s18, $0xb8;
	[tilespmem:$0x1E800] =	vst v63  }
0x47: {  	_ =	swait.ge [sflag:s15], $0x4000  }
0x48: {  	[sflag:s15] =	ssyncset.done $0x0  }
0x49: {  	s31 =	sadd.s32 $0x100, s28;
	[sflag:s15] =	ssyncadd.s32 $0xFFFFC000  }
0x4a: {  	[tilespmem:s19], [sflag:$0x1] =	stream.indirect.gather [hbm4b:s4+s18], $0x80, s31, s18, $0xb8;
	[tilespmem:$0x1E800] =	vst v63  }
0x4b: {  	_ =	swait.ge [sflag:s22], $0x4000  }
0x4c: {  	[sflag:s22] =	ssyncset.done $0x0  }
0x4d: {  	s30 =	sadd.s32 $0x1480, s28;
	[sflag:s22] =	ssyncadd.s32 $0xFFFFC000  }
0x4e: {  	[spmem:s2] =	stream.indirect.scatter.add.f32 [tilespmem:s20], [sflag:$0x4], $0x80, s30, s18, $0xb8;
	[tilespmem:$0x1E800] =	vst v63  }
0x4f: {  	_ =	swait.ge [sflag:s15], $0x4000  }
0x50: {  	[sflag:s15] =	ssyncset.done $0x0  }
0x51: {  	[sflag:s15] =	ssyncadd.s32 $0xFFFFC000  }
0x52: {  	[tilespmem:s20], [sflag:$0x2] =	stream.indirect.gather [hbm4b:s4+s18], $0x80, s23, s18, $0xb8;
	[tilespmem:$0x1E800] =	vst v63  }
0x53: {  	_ =	swait.ge [sflag:s21], $0x4000  }
0x54: {  	[sflag:s21] =	ssyncset.done $0x0  }
0x55: {  	[sflag:s21] =	ssyncadd.s32 $0xFFFFC000  }
0x56: {  	[spmem:s2] =	stream.indirect.scatter.add.f32 [tilespmem:s19], [sflag:$0x4], $0x80, s24, s18, $0xb8;
	[tilespmem:$0x1E800] =	vst v63  }
0x57: {  	_ =	swait.ge [sflag:s15], $0x4000  }
0x58: {  	[sflag:s15] =	ssyncset.done $0x0  }
0x59: {  	[sflag:s15] =	ssyncadd.s32 $0xFFFFC000  }
0x5a: {  	_ =	swait.ge [sflag:s22], $0x4000  }
0x5b: {  	[sflag:s22] =	ssyncset.done $0x0  }
0x5c: {  	[sflag:s22] =	ssyncadd.s32 $0xFFFFC000  }
0x5d: {  	[spmem:s2] =	stream.indirect.scatter.add.f32 [tilespmem:s20], [sflag:$0x4], $0x80, s25, s18, $0xb8;
	[tilespmem:$0x1E800] =	vst v63  }
0x5e: {  	_ =	swait.ge [sflag:s15], $0x4000  }
0x5f: {  	[sflag:s15] =	ssyncset.done $0x0  }
0x60: {  	s31 =	simm.s32 $0x0;
	[sflag:s15] =	ssyncadd.s32 $0xFFFFC000  }
0x61: {  	[tilespmem:s31], [sflag:$0x4] =	stream.linear.gather [hbm4b:s10+s31], $0x1400, $0x38;
	[tilespmem:$0x1E800] =	vst v63  }
0x62: {  	_ =	swait.ge [sflag:s15], $0x1400  }
0x63: {  	[sflag:s15] =	ssyncset.done $0x0  }
0x64: {  	[sflag:s15] =	ssyncadd.s32 $0xFFFFEC00  }
0x65: {  	[tilespmem:s16], [sflag:$0x4] =	stream.linear.gather [hbm4b:s11+s31], $0x1400, $0x38;
	[tilespmem:$0x1E800] =	vst v63  }
0x66: {  	_ =	swait.ge [sflag:s15], $0x1400  }
0x67: {  	[sflag:s15] =	ssyncset.done $0x0  }
0x68: {  	[sflag:s15] =	ssyncadd.s32 $0xFFFFEC00  }
0x69: {  	[tilespmem:s19], [sflag:$0x1] =	stream.indirect.gather [hbm4b:s4+s18], $0x80, s31, s18, $0xb8;
	[tilespmem:$0x1E800] =	vst v63  }
0x6a: {  	s30 =	simm.s32 $0x80  }
0x6b: {  	[tilespmem:s20], [sflag:$0x2] =	stream.indirect.gather [hbm4b:s4+s18], $0x80, s30, s18, $0xb8;
	[tilespmem:$0x1E800] =	vst v63  }
0x6c: {  	_ =	swait.ge [sflag:s21], $0x4000  }
0x6d: {  	[sflag:s21] =	ssyncset.done $0x0  }
0x6e: {  	s31 =	simm.s32 $0x1400;
	[sflag:s21] =	ssyncadd.s32 $0xFFFFC000  }
0x6f: {  	[spmem:s2] =	stream.indirect.scatter.add.f32 [tilespmem:s19], [sflag:$0x4], $0x80, s31, s18, $0xb8;
	[tilespmem:$0x1E800] =	vst v63  }
0x70: {  	_ =	swait.ge [sflag:s15], $0x4000  }
0x71: {  	[sflag:s15] =	ssyncset.done $0x0  }
0x72: {  	s30 =	simm.s32 $0x100;
	[sflag:s15] =	ssyncadd.s32 $0xFFFFC000  }
0x73: {  	[tilespmem:s19], [sflag:$0x1] =	stream.indirect.gather [hbm4b:s4+s18], $0x80, s30, s18, $0xb8;
	[tilespmem:$0x1E800] =	vst v63  }
0x74: {  	_ =	swait.ge [sflag:s22], $0x4000  }
0x75: {  	[sflag:s22] =	ssyncset.done $0x0  }
0x76: {  	s31 =	simm.s32 $0x1480;
	[sflag:s22] =	ssyncadd.s32 $0xFFFFC000  }
0x77: {  	[spmem:s2] =	stream.indirect.scatter.add.f32 [tilespmem:s20], [sflag:$0x4], $0x80, s31, s18, $0xb8;
	[tilespmem:$0x1E800] =	vst v63  }
0x78: {  	_ =	swait.ge [sflag:s15], $0x4000  }
0x79: {  	s29 =	simm.s32 $0x800;
	s28 =	simm.s32 $0x100;
	[sflag:s15] =	ssyncset.done $0x0  }
.LBB2_4:
0x7a: {  	s0 =	sadd.s32 $0x80, s28  }
0x7b: {  	[sflag:s15] =	ssyncadd.s32 $0xFFFFC000;
	s30 =	smov.u32 s29;
	s31 =	sadd.s32 $0x400, s29  }
0x7c: {  	[tilespmem:s20], [sflag:$0x2] =	stream.indirect.gather [hbm4b:s4+s18], $0x80, s0, s18, $0xb8;
	[tilespmem:$0x1E800] =	vst v63  }
0x7d: {  	p0 =	sne.s32 s29, $0x4800;
	_ =	swait.ge [sflag:s21], $0x4000  }
0x7e: {  	[sflag:s21] =	ssyncset.done $0x0  }
0x7f: {  	s0 =	sadd.s32 $0x1400, s28;
	[sflag:s21] =	ssyncadd.s32 $0xFFFFC000  }
0x80: {  	[spmem:s2] =	stream.indirect.scatter.add.f32 [tilespmem:s19], [sflag:$0x4], $0x80, s0, s18, $0xb8;
	[tilespmem:$0x1E800] =	vst v63  }
0x81: {  	_ =	swait.ge [sflag:s15], $0x4000  }
0x82: {  	[sflag:s15] =	ssyncset.done $0x0  }
0x83: {  	s0 =	sadd.s32 $0x100, s28;
	[sflag:s15] =	ssyncadd.s32 $0xFFFFC000  }
0x84: {  	[tilespmem:s19], [sflag:$0x1] =	stream.indirect.gather [hbm4b:s4+s18], $0x80, s0, s18, $0xb8;
	[tilespmem:$0x1E800] =	vst v63  }
0x85: {  	_ =	swait.ge [sflag:s22], $0x4000  }
.Ltmp1:
0x86: {  	[sflag:s22] =	ssyncset.done $0x0;
	(pc) =	sbr.rel @p0 .LBB2_4-.Ltmp1, $4  }
0x87: {  	s0 =	sadd.s32 $0x1480, s28;
	[sflag:s22] =	ssyncadd.s32 $0xFFFFC000  }
0x88: {  	[spmem:s2] =	stream.indirect.scatter.add.f32 [tilespmem:s20], [sflag:$0x4], $0x80, s0, s18, $0xb8;
	[tilespmem:$0x1E800] =	vst v63  }
0x89: {  	_ =	swait.ge [sflag:s15], $0x4000  }
0x8a: {  	s29 =	smov.u32 s31;
	s28 =	sshra.s32 s30, $0x2;
	[sflag:s15] =	ssyncset.done $0x0  }
0x8b: {  	s0 =	sadd.s32 $0x80, s28;
	[sflag:s15] =	ssyncadd.s32 $0xFFFFC000  }
0x8c: {  	[tilespmem:s20], [sflag:$0x2] =	stream.indirect.gather [hbm4b:s4+s18], $0x80, s0, s18, $0xb8;
	[tilespmem:$0x1E800] =	vst v63  }
0x8d: {  	_ =	swait.ge [sflag:s21], $0x4000  }
0x8e: {  	[sflag:s21] =	ssyncset.done $0x0  }
0x8f: {  	s31 =	sadd.s32 $0x1400, s28;
	[sflag:s21] =	ssyncadd.s32 $0xFFFFC000  }
0x90: {  	[spmem:s2] =	stream.indirect.scatter.add.f32 [tilespmem:s19], [sflag:$0x4], $0x80, s31, s18, $0xb8;
	[tilespmem:$0x1E800] =	vst v63  }
0x91: {  	_ =	swait.ge [sflag:s15], $0x4000  }
0x92: {  	[sflag:s15] =	ssyncset.done $0x0  }
0x93: {  	s29 =	sadd.s32 $0x100, s28;
	[sflag:s15] =	ssyncadd.s32 $0xFFFFC000  }
0x94: {  	[tilespmem:s19], [sflag:$0x1] =	stream.indirect.gather [hbm4b:s4+s18], $0x80, s29, s18, $0xb8;
	[tilespmem:$0x1E800] =	vst v63  }
0x95: {  	_ =	swait.ge [sflag:s22], $0x4000  }
0x96: {  	[sflag:s22] =	ssyncset.done $0x0  }
0x97: {  	s30 =	sadd.s32 $0x1480, s28;
	[sflag:s22] =	ssyncadd.s32 $0xFFFFC000  }
0x98: {  	[spmem:s2] =	stream.indirect.scatter.add.f32 [tilespmem:s20], [sflag:$0x4], $0x80, s30, s18, $0xb8;
	[tilespmem:$0x1E800] =	vst v63  }
0x99: {  	_ =	swait.ge [sflag:s15], $0x4000  }
0x9a: {  	[sflag:s15] =	ssyncset.done $0x0  }
0x9b: {  	[sflag:s15] =	ssyncadd.s32 $0xFFFFC000  }
0x9c: {  	[tilespmem:s20], [sflag:$0x2] =	stream.indirect.gather [hbm4b:s4+s18], $0x80, s23, s18, $0xb8;
	[tilespmem:$0x1E800] =	vst v63  }
0x9d: {  	_ =	swait.ge [sflag:s21], $0x4000  }
0x9e: {  	[sflag:s21] =	ssyncset.done $0x0  }
0x9f: {  	[sflag:s21] =	ssyncadd.s32 $0xFFFFC000  }
0xa0: {  	[spmem:s2] =	stream.indirect.scatter.add.f32 [tilespmem:s19], [sflag:$0x4], $0x80, s24, s18, $0xb8;
	[tilespmem:$0x1E800] =	vst v63  }
0xa1: {  	_ =	swait.ge [sflag:s15], $0x4000  }
0xa2: {  	[sflag:s15] =	ssyncset.done $0x0  }
0xa3: {  	[sflag:s15] =	ssyncadd.s32 $0xFFFFC000  }
0xa4: {  	_ =	swait.ge [sflag:s22], $0x4000  }
0xa5: {  	[sflag:s22] =	ssyncset.done $0x0  }
0xa6: {  	[sflag:s22] =	ssyncadd.s32 $0xFFFFC000  }
0xa7: {  	[spmem:s2] =	stream.indirect.scatter.add.f32 [tilespmem:s20], [sflag:$0x4], $0x80, s25, s18, $0xb8;
	[tilespmem:$0x1E800] =	vst v63  }
0xa8: {  	_ =	swait.ge [sflag:s15], $0x4000  }
0xa9: {  	s26 =	sadd.s32 $0x1, s26;
	[sflag:s15] =	ssyncset.done $0x0  }
0xaa: {  	p0 =	sne.s32 s26, s13;
	[sflag:s15] =	ssyncadd.s32 $0xFFFFC000  }
.Ltmp2:
0xab: {  	s31 =	sor.u32 $0x1C04, s6;
	[bflag:$0x0] =	sbarrier.arrive $0xFFFF;
	(pc) =	sbr.rel @p0 .LBB2_1-.Ltmp2, $4  }
0xac: {  	[hbm:s12], [sflag:s31] =	dma.local [spmem:s14], $0x2800  }
0xad: {  	_ =	swait.ge [sflag:s15], $0x2800  }
0xae: {  	[sflag:s15] =	ssyncset.done $0x0  }
0xaf: {  	[sflag:s15] =	ssyncadd.s32 $0xFFFFD800  }
0xb0: {  	_ =	sfence.sel $0x180000  }
0xb1: {  	[bflag:$0x0] =	sbarrier.arrive $0xFFFF  }
0xb2: {  	_ =	strace $0x9000004D  }
0xb3: {  	[bflag:$0x2] =	sbarrier.arrive $0xFFFF  }
0xb4: {  	p0 =	sne.s32 s1, $0x0;
	s0 =	rddreg [dreg:$0x2]  }
0xb5: {  	s0 =	sadd.s32 @!p0 $0x100000, s0  }
0xb6: {  	[sflag:s0] =	ssyncadd.tile.s32 @!p0 $0x1;
	_ =	shalt  }
.Lfunc_end2:
_tile_overlayer_lowered:
.L_overlay_start_2:
0xb7: {  	(tag) =	ssettag $0x2  }
0xb8: {  	s0 =	rddreg [dreg:$0x0];
	s2 =	stileid.u32  }
0xb9: {  	s1 =	rddreg [dreg:$0x1];
	p0 =	sne.s32 s2, $0x0  }
0xba: {  	s3 =	rddreg [dreg:$0x2];
	[bflag:$0x3] =	sbarrier.arrive $0xFFFF;
	s2 =	simm.s32 @!p0 $0x1C04  }
0xbb: {  	[timem:s3], [sflag:s2] =	dma.local @!p0 [hbm:s0], s1  }
0xbc: {  	s0 =	simm.s32 @!p0 $0x4  }
0xbd: {  	_ =	swait.ge @!p0 [sflag:s0], s1  }
0xbe: {  	s1 =	ssub.s32 @!p0 $0x0, s1;
	[sflag:s0] =	ssyncset.done @!p0 $0x0  }
0xbf: {  	[sflag:s0] =	ssyncadd.s32 @!p0 s1  }
0xc0: {  	[bflag:$0x3] =	sbarrier.arrive $0xFFFF  }
0xc1: {  	_ =	shalt  }

// kernel: kernel.8.cloned.1.call-start
scs
__scs_entry_jumppad:
0x0: {  	(pc) =	sbr.rel $0x88, $3  }
0x1: {  	(tag) =	ssettag $0x0;
	lr =	simm.s32 $0x1  }
0x2: {  	[smem:$0x3F99] =	sst lr;
	_ =	strace $0xD0000000  }
0x3: {  	_ = 	snop  }
0x4: {  	_ = 	snop  }
0x5: {  	_ = 	snop  }
0x6: {  	_ = 	snop  }
0x7: {  	_ = 	snop  }
__scs_overlays_trampoline_lowered:
0x8: {  	[smem:$0x3FA8] =	sst s0  }
0x9: {  	[smem:$0x3FA9] =	sst s1  }
0xa: {  	[smem:$0x3FAA] =	sst s2  }
0xb: {  	[smem:$0x3FAB] =	sst s3  }
0xc: {  	[smem:$0x3FAC] =	sst s4  }
0xd: {  	[smem:$0x3FAD] =	sst s5  }
0xe: {  	[smem:$0x3FAE] =	sst s6  }
0xf: {  	[smem:$0x3FAF] =	sst s7  }
0x10: {  	[smem:$0x3FB0] =	sst s8  }
0x11: {  	[smem:$0x3FB1] =	sst s9;
	s0 =	simm.s32 @!p0 $0x0  }
0x12: {  	s1 =	sld [smem:$0x3F97];
	s0 =	simm.s32 @p0 $0x1  }
0x13: {  	[smem:$0x3FB2] =	sst s0;
	s0 =	simm.s32 @!p1 $0x0  }
0x14: {  	s2 =	sld [smem:$0x3F96];
	s0 =	simm.s32 @p1 $0x1  }
0x15: {  	[smem:$0x3FB3] =	sst s0;
	s0 =	simm.s32 @!p2 $0x0  }
0x16: {  	s3 =	sld [smem:$0x3FDB];
	s0 =	simm.s32 @p2 $0x1  }
0x17: {  	s4 =	simm.s32 $0x1BF5;
	[smem:$0x3FB5] =	sst s0  }
0x18: {  	s0 =	sld [smem:$0x3F98];
	_ =	swait.ge [sflag:s4], $0x0  }
0x19: {  	s7 =	sld [smem:$0x3F99]  }
0x1a: {  	s8 =	sadd.s32 $0xFFFFE003, lr  }
0x1b: {  	s9 =	sadd.s32 $0xFFFFFEF7, lr;
	s5 =	simm.s32 $0xFFFFFFFF;
	p2 =	slt.u32 s8, $0xFFFFF086  }
0x1c: {  	p1 =	slt.u32 s9, $0xF7A;
	s5 =	simm.s32 @!p2 $0x0  }
0x1d: {  	s5 =	simm.s32 @p1 $0x1;
	p0 =	seq.s32 s7, s2  }
0x1e: {  	s7 =	smul.u32 @!p0 $0xF7A, s2;
	p2 =	seq.s32 @!p0 s5, $0x0  }
0x1f: {  	s9 =	smul.u32 $0xF7A, s1;
	s8 =	simm.s32 @!p0 $0x1BF5;
	p2 =	por !p2, p0  }
0x20: {  	[sflag:s8] =	ssyncset.s32 @!p0 $0xFFFFF086;
	s6 =	sadd.s32 @!p0 s3, s7;
	s7 =	simm.s32 @!p0 $0x108  }
0x21: {  	s3 =	sadd.s32 s3, s9;
	s6 =	sadd.s32 @!p0 $0x88, s6;
	s7 =	simm.s32 @p2 $0x1082  }
0x22: {  	[simem:s7], [sflag:s8] =	dma.local @!p0 [hbm:s6], $0xF7A  }
0x23: {  	s9 =	sor.u32 $0xD0000000, s2;
	s6 =	simm.s32 $0x108;
	_ =	swait.ge @!p0 [sflag:s8], $0x0  }
0x24: {  	s3 =	sadd.s32 $0x88, s3;
	s6 =	simm.s32 @!p1 $0x1082;
	[sflag:s4] =	ssyncset.s32 $0xFFFFF086  }
0x25: {  	[simem:s6], [sflag:s4] =	dma.local [hbm:s3], $0xF7A  }
0x26: {  	[smem:$0x3F99] =	sst s1;
	(tag) =	ssettag s2;
	_ =	strace s9  }
0x27: {  	s1 =	sld [smem:$0x3FA9]  }
0x28: {  	s2 =	sld [smem:$0x3FAA]  }
0x29: {  	s4 =	sld [smem:$0x3FAC]  }
0x2a: {  	p0 =	seq.s32 s5, $0x0;
	s5 =	sld [smem:$0x3FAD]  }
0x2b: {  	s6 =	sld [smem:$0x3FAE]  }
0x2c: {  	s7 =	sld [smem:$0x3FAF]  }
0x2d: {  	s3 =	simm.s32 $0x108;
	s8 =	sld [smem:$0x3FB0]  }
0x2e: {  	s3 =	simm.s32 @!p0 $0x1082;
	s9 =	sld [smem:$0x3FB1]  }
0x2f: {  	lr =	sadd.s32 s0, s3;
	s0 =	sld [smem:$0x3FA8]  }
0x30: {  	s3 =	sld [smem:$0x3FAB]  }
0x31: {  	[smem:$0x3FB4] =	sst s10  }
0x32: {  	s10 =	sld [smem:$0x3FB2];
	_ =	sdelay $0x3  }
0x33: {  	p0 =	seq.s32 s10, $0x1;
	s10 =	sld [smem:$0x3FB4];
	_ =	sdelay $0x3  }
0x34: {  	[smem:$0x3FB4] =	sst s10  }
0x35: {  	s10 =	sld [smem:$0x3FB3];
	_ =	sdelay $0x3  }
0x36: {  	p1 =	seq.s32 s10, $0x1;
	s10 =	sld [smem:$0x3FB4];
	_ =	sdelay $0x3  }
0x37: {  	[smem:$0x3FB4] =	sst s10  }
0x38: {  	s10 =	sld [smem:$0x3FB5]  }
0x39: {  	_ = 	snop;
	(pc) =	sbr.ind lr, $3  }
0x3a: {  	_ = 	snop  }
0x3b: {  	_ = 	snop  }
0x3c: {  	p2 =	seq.s32 s10, $0x1;
	s10 =	sld [smem:$0x3FB4]  }
0x3d: {  	_ =	shalt  }
0x3e: {  	_ =	shalt  }
0x3f: {  	_ =	shalt  }
0x40: {  	_ =	shalt  }
0x41: {  	_ =	shalt  }
0x42: {  	_ =	shalt  }
0x43: {  	_ =	shalt  }
0x44: {  	_ =	shalt  }
0x45: {  	_ =	shalt  }
0x46: {  	_ =	shalt  }
0x47: {  	_ =	shalt  }
0x48: {  	_ =	shalt  }
0x49: {  	_ =	shalt  }
0x4a: {  	_ =	shalt  }
0x4b: {  	_ =	shalt  }
0x4c: {  	_ =	shalt  }
0x4d: {  	_ =	shalt  }
0x4e: {  	_ =	shalt  }
0x4f: {  	_ =	shalt  }
0x50: {  	_ =	shalt  }
0x51: {  	_ =	shalt  }
0x52: {  	_ =	shalt  }
0x53: {  	_ =	shalt  }
0x54: {  	_ =	shalt  }
0x55: {  	_ =	shalt  }
0x56: {  	_ =	shalt  }
0x57: {  	_ =	shalt  }
0x58: {  	_ =	shalt  }
0x59: {  	_ =	shalt  }
0x5a: {  	_ =	shalt  }
0x5b: {  	_ =	shalt  }
0x5c: {  	_ =	shalt  }
0x5d: {  	_ =	shalt  }
0x5e: {  	_ =	shalt  }
0x5f: {  	_ =	shalt  }
0x60: {  	_ =	shalt  }
0x61: {  	_ =	shalt  }
0x62: {  	_ =	shalt  }
0x63: {  	_ =	shalt  }
0x64: {  	_ =	shalt  }
0x65: {  	_ =	shalt  }
0x66: {  	_ =	shalt  }
0x67: {  	_ =	shalt  }
0x68: {  	_ =	shalt  }
0x69: {  	_ =	shalt  }
0x6a: {  	_ =	shalt  }
0x6b: {  	_ =	shalt  }
0x6c: {  	_ =	shalt  }
0x6d: {  	_ =	shalt  }
0x6e: {  	_ =	shalt  }
0x6f: {  	_ =	shalt  }
0x70: {  	_ =	shalt  }
0x71: {  	_ =	shalt  }
0x72: {  	_ =	shalt  }
0x73: {  	_ =	shalt  }
0x74: {  	_ =	shalt  }
0x75: {  	_ =	shalt  }
0x76: {  	_ =	shalt  }
0x77: {  	_ =	shalt  }
0x78: {  	_ =	shalt  }
0x79: {  	_ =	shalt  }
0x7a: {  	_ =	shalt  }
0x7b: {  	_ =	shalt  }
0x7c: {  	_ =	shalt  }
0x7d: {  	_ =	shalt  }
0x7e: {  	_ =	shalt  }
0x7f: {  	_ =	shalt  }
0x80: {  	_ =	shalt  }
0x81: {  	_ =	shalt  }
0x82: {  	_ =	shalt  }
0x83: {  	_ =	shalt  }
0x84: {  	_ =	shalt  }
0x85: {  	_ =	shalt  }
0x86: {  	_ =	shalt  }
0x87: {  	_ =	shalt  }
.Lfunc_end0:
.L_simem_size_0:
called_computation_lowered:
.L_overlay_start_0:
0x88: {  	s2 =	sld [smem:$0x3FD9]  }
0x89: {  	s3 =	sld [smem:$0x3FFE];
	_ =	sdelay $0x1  }
0x8a: {  	s1 =	srdreg.scid  }
0x8b: {  	s0 =	sand.u32 $0x1, s1  }
0x8c: {  	s17 =	sshll.u32 s0, $0xA;
	s2 =	sadd.s32 s3, s2  }
0x8d: {  	s2 =	sadd.s32 s2, s17  }
0x8e: {  	[smem:$0x3FC0] =	sst s2  }
0x8f: {  	_ = 	snop  }
0x90: {  	s2 =	sld [smem:$0x3FD0];
	(tm) =	ssettm $0x1  }
0x91: {  	s18 =	sld [smem:$0x3FFB];
	_ =	sdelay $0x3  }
0x92: {  	_ =	strace s18  }
0x93: {  	s3 =	sld [smem:$0x3FFC];
	_ =	sdelay $0x3  }
0x94: {  	_ =	strace s3  }
0x95: {  	s3 =	sld [smem:$0x3FFD];
	_ =	sdelay $0x3  }
0x96: {  	_ =	strace s3  }
0x97: {  	_ =	strace $0x8FFFFFFF  }
0x98: {  	s19 =	sld [smem:$0x3FDB];
	_ =	sdelay $0x1  }
0x99: {  	s4 =	simm.s32 $_scs_section_size  }
0x9a: {  	s5 =	simm.s32 $_size__tile_overlayer_lowered;
	s6 =	simm.s32 $_tile_overlayer_lowered  }
0x9b: {  	s22 =	simm.s32 $0x1BFF;
	s21 =	sshll.u32 s6, $0x1;
	s3 =	sadd.s32 s4, s19  }
0x9c: {  	s7 =	simm.s32 $0x0;
	s20 =	sshll.u32 s5, $0x1;
	s5 =	sadd.s32 s21, s3  }
0x9d: {  	[timem:s7], [sflag:s22] =	dma.local [hbm:s5], s20  }
0x9e: {  	_ =	swait.ge [sflag:s22], s20  }
0x9f: {  	s4 =	ssub.s32 $0x0, s20;
	[sflag:s22] =	ssyncset.done $0x0  }
0xa0: {  	[sflag:s22] =	ssyncadd.s32 s4;
	_ =	sdelay $0x1  }
0xa1: {  	s23 =	simm.s32 $0x1B8B  }
0xa2: {  	_ =	swait.ge [sflag:s23], $0x1  }
0xa3: {  	[sflag:s23] =	ssyncset.done $0x0  }
0xa4: {  	s25 =	simm.s32 $0x1B8E;
	s24 =	sld [smem:$0x3FFE];
	[sflag:s23] =	ssyncadd.s32 $0xFFFFFFFF  }
0xa5: {  	s26 =	simm.s32 $execute0_lowered;
	[smem:$0x3FD2] =	sst s25  }
0xa6: {  	s5 =	sshll.u32 s26, $0x1;
	_ =	strace $0x80000046;
	[dreg:$0x1] =	wrdreg $0xFFFFFFFF  }
0xa7: {  	s28 =	simm.s32 $_size_execute0_lowered;
	s3 =	sadd.s32 s3, s5;
	[dreg:$0x0] =	wrdreg $0x0  }
0xa8: {  	s5 =	sshll.u32 s28, $0x1;
	[dreg:$0x2] =	wrdreg s3  }
0xa9: {  	[dreg:$0x3] =	wrdreg s5  }
0xaa: {  	[dreg:$0x4] =	wrdreg $0xC0  }
0xab: {  	_ =	task [dreg:s7], $0x5FFFF  }
0xac: {  	[dreg:$0x1] =	wrdreg $0xFFFFFFFF  }
0xad: {  	[dreg:$0x0] =	wrdreg $0x60  }
0xae: {  	[dreg:$0x2] =	wrdreg s24  }
0xaf: {  	[dreg:$0x3] =	wrdreg s2  }
0xb0: {  	[dreg:$0x4] =	wrdreg $0x28800  }
0xb1: {  	[dreg:$0x5] =	wrdreg $0x9  }
0xb2: {  	_ =	task.clear_ibuf [dreg:s7], $0x6FFFF;
	_ =	strace $0x90000046  }
0xb3: {  	s29 =	simm.s32 $0x9;
	_ =	strace $0x80000048  }
0xb4: {  	_ =	swait.ge [sflag:s29], $0x1  }
0xb5: {  	[sflag:s29] =	ssyncadd.s32 $0xFFFFFFFF  }
0xb6: {  	_ =	strace $0x90000048  }
0xb7: {  	_ =	sfence  }
0xb8: {  	s30 =	sld [smem:$0x0];
	_ =	sdelay $0x2  }
0xb9: {  	s31 =	sshll.u32 s1, $0xD;
	s1 =	sshrl.u32 s1, $0x2  }
0xba: {  	s3 =	sand.u32 $0x4000, s31;
	s1 =	sadd.s32 s1, s30  }
0xbb: {  	s0 =	sor.u32 s3, s0;
	s1 =	sshll.u32 s1, $0x11  }
0xbc: {  	s0 =	sor.u32 s1, s0  }
0xbd: {  	s0 =	sadd.s32 $0x8F2B, s0  }
0xbe: {  	[sflag:s0] =	ssyncadd.remote.s32 $0x1  }
0xbf: {  	_ =	sfence.sel $0xFFFF  }
0xc0: {  	[dreg:$0x0] =	wrdreg $0xFFFFFFFF;
	(pc) =	sbr.abs _section_cstart, $3  }
0xc1: {  	[dreg:$0x1] =	wrdreg $0xFFFFFFFF  }
0xc2: {  	_ =	task.clear_ibuf [dreg:s7], $0x2FFFF;
	_ =	strace $0x9FFFFFFF  }
0xc3: {  	(tm) =	ssettm $0x7FFFFFFF  }
tec
execute0_lowered:
.L_overlay_start_1:
0x0: {  	(tag) =	ssettag $0x1  }
0x1: {  	s5 =	rddreg [dreg:$0x0]  }
0x2: {  	s0 =	srdreg.scid;
	s7 =	rddreg [dreg:$0x1]  }
0x3: {  	s2 =	rddreg [dreg:$0x2];
	s3 =	simm.s32 $0x0;
	s13 =	simm.s32 $0x80  }
0x4: {  	s14 =	simm.s32 $0x0;
	s4 =	sand.u32 $0x1, s0;
	s0 =	stileid.u32  }
0x5: {  	[smem:$0x7FF] =	sst s3;
	s1 =	sshll.u32 s4, $0x4;
	s8 =	smul.u32 $0x280, s0  }
0x6: {  	s10 =	ssub.s32 $0x2, s4;
	s11 =	smul.u32 $0x2800, s4;
	s4 =	sadd.s32 $0x16E00, s5  }
0x7: {  	s31 =	sshll.u32 s0, $0x6;
	s6 =	sor.u32 s0, s1;
	s1 =	rddreg [dreg:$0x3]  }
0x8: {  	_ =	strace $0x80000047;
	s29 =	sshrl.u32 s10, $0x1;
	s6 =	smul.u32 $0x500, s6  }
0x9: {  	s9 =	sshrl.u32 s8, $0x3;
	s10 =	ssub.s32 s10, s29;
	s11 =	sadd.s32 s8, s11  }
0xa: {  	s12 =	sadd.s32 s8, s2;
	s9 =	sadd.s32 s9, s5;
	s30 =	sshrl.u32 s11, $0x3  }
0xb: {  	s8 =	smax.u32 s10, $0x1;
	s10 =	simm.s32 $0x2800;
	s11 =	sor.u32 $0x1C01, s31  }
0xc: {  	s12 =	sshrl.u32 s12, $0x3;
	s6 =	sadd.s32 s6, s5;
	s7 =	sadd.s32 s7, s30  }
0xd: {  	s5 =	sadd.s32 $0xC800, s6;
	s6 =	sadd.s32 $0x16800, s9;
	s9 =	simm.s32 $0x1  }
.LBB2_1:
0xe: {  	[tilespmem:s3], [sflag:$0x1] =	stream.linear.gather [hbm4b:s5+s3], $0x2800, $0x38;
	[tilespmem:$0x2B00] =	vst v63  }
0xf: {  	_ =	swait.ge [sflag:s9], $0x2800  }
0x10: {  	[sflag:s9] =	ssyncset.done $0x0  }
0x11: {  	[sflag:s9] =	ssyncadd.s32 $0xFFFFD800  }
0x12: {  	[tilespmem:s10], [sflag:$0x1] =	stream.linear.gather [hbm4b:s4+s3], $0x80, $0x38;
	[tilespmem:$0x2B00] =	vst v63  }
0x13: {  	_ =	swait.ge [sflag:s9], $0x80  }
0x14: {  	[sflag:s9] =	ssyncset.done $0x0  }
0x15: {  	[sflag:s9] =	ssyncadd.s32 $0xFFFFFF80  }
0x16: {  	[spmem:s12], [sflag:s11] =	dma.local [hbm:s6], $0x50  }
0x17: {  	_ =	swait.ge [sflag:s9], $0x50  }
0x18: {  	[sflag:s9] =	ssyncset.done $0x0  }
0x19: {  	[sflag:s9] =	ssyncadd.s32 $0xFFFFFFB0  }
0x1a: {  	s15 =	simm.s32 $0x0;
	[bflag:$0x0] =	sbarrier.arrive $0xFFFF  }
0x1b: {  	[spmem:s2] =	stream.indirect.scatter.add.f32 [tilespmem:s10], [sflag:$0x1], $0x1, s15, s13, $0xb8;
	[tilespmem:$0x2B00] =	vst v63  }
0x1c: {  	_ =	swait.ge [sflag:s9], $0x80  }
0x1d: {  	s15 =	simm.s32 $0x200;
	[sflag:s9] =	ssyncset.done $0x0  }
.LBB2_2:
0x1e: {  	s16 =	sshra.s32 s15, $0x2;
	[sflag:s9] =	ssyncadd.s32 $0xFFFFFF80;
	p0 =	sne.s32 s15, $0x9E00  }
0x1f: {  	[spmem:s2] =	stream.indirect.scatter.add.f32 [tilespmem:s10], [sflag:$0x1], $0x1, s16, s13, $0xb8;
	[tilespmem:$0x2B00] =	vst v63  }
.Ltmp0:
0x20: {  	_ = 	snop;
	(pc) =	sbr.rel @p0 .LBB2_2-.Ltmp0, $4  }
0x21: {  	_ = 	snop  }
0x22: {  	s15 =	sadd.s32 $0x200, s15  }
0x23: {  	_ =	swait.ge [sflag:s9], $0x80  }
0x24: {  	[sflag:s9] =	ssyncset.done $0x0  }
0x25: {  	s14 =	sadd.s32 $0x1, s14  }
0x26: {  	[sflag:s9] =	ssyncadd.s32 $0xFFFFFF80;
	p0 =	sne.s32 s14, s8  }
.Ltmp1:
0x27: {  	[bflag:$0x0] =	sbarrier.arrive $0xFFFF;
	(pc) =	sbr.rel @p0 .LBB2_1-.Ltmp1, $4  }
0x28: {  	[hbm:s7], [sflag:s11] =	dma.local [spmem:s12], $0x50  }
0x29: {  	_ =	swait.ge [sflag:s9], $0x50  }
0x2a: {  	[sflag:s9] =	ssyncset.done $0x0  }
0x2b: {  	[sflag:s9] =	ssyncadd.s32 $0xFFFFFFB0  }
0x2c: {  	_ =	sfence.sel $0x180000  }
0x2d: {  	[bflag:$0x0] =	sbarrier.arrive $0xFFFF  }
0x2e: {  	p0 =	sne.s32 s0, $0x0;
	_ =	strace $0x90000047  }
0x2f: {  	s0 =	sadd.s32 @!p0 $0x100000, s1;
	[bflag:$0x2] =	sbarrier.arrive $0xFFFF  }
0x30: {  	[sflag:s0] =	ssyncadd.tile.s32 @!p0 $0x1;
	_ =	shalt  }
.Lfunc_end2:
_tile_overlayer_lowered:
.L_overlay_start_2:
0x31: {  	(tag) =	ssettag $0x2  }
0x32: {  	s0 =	rddreg [dreg:$0x0];
	s2 =	stileid.u32  }
0x33: {  	s1 =	rddreg [dreg:$0x1];
	p0 =	sne.s32 s2, $0x0  }
0x34: {  	s3 =	rddreg [dreg:$0x2];
	[bflag:$0x3] =	sbarrier.arrive $0xFFFF;
	s2 =	simm.s32 @!p0 $0x1C01  }
0x35: {  	[timem:s3], [sflag:s2] =	dma.local @!p0 [hbm:s0], s1  }
0x36: {  	s0 =	simm.s32 @!p0 $0x1  }
0x37: {  	_ =	swait.ge @!p0 [sflag:s0], s1  }
0x38: {  	s1 =	ssub.s32 @!p0 $0x0, s1;
	[sflag:s0] =	ssyncset.done @!p0 $0x0  }
0x39: {  	[sflag:s0] =	ssyncadd.s32 @!p0 s1  }
0x3a: {  	[bflag:$0x3] =	sbarrier.arrive $0xFFFF  }
0x3b: {  	_ =	shalt  }

</sc_bundles>
